<compile_context>
chip_gen: v7x
topology: tpu7x:2x2x1
jax: 0.10.2.dev20260603
libtpu: 0.0.44.dev20260713+nightly
codegen_flags: <defaults>
</compile_context>

<pallas_src>
import functools

import jax
import jax.numpy as jnp
from jax import lax
from jax.experimental import pallas as pl
from jax.experimental.pallas import tpu as pltpu
from jax.experimental.pallas import tpu_sc as plsc

EMBED = 64
BATCH = 16384

NUM_CORES = 2
NUM_SUBCORES = 16
NW = NUM_CORES * NUM_SUBCORES
ROWS_PER_TILE = BATCH // NW
IDX_CHUNK = 128
N_CHUNKS = ROWS_PER_TILE // IDX_CHUNK
LANES = 16


def _sc_gather_mul(x, x_, table):
    mesh = plsc.VectorSubcoreMesh(core_axis_name="c", subcore_axis_name="s")

    @functools.partial(
        pl.kernel,
        out_type=jax.ShapeDtypeStruct((BATCH, EMBED), jnp.float32),
        mesh=mesh,
        compiler_params=pltpu.CompilerParams(use_tc_tiling_on_sc=False),
        scratch_types=[
            pltpu.VMEM((N_CHUNKS, IDX_CHUNK), jnp.int32),
            pltpu.VMEM((N_CHUNKS, IDX_CHUNK), jnp.int32),
            pltpu.VMEM((ROWS_PER_TILE, EMBED), jnp.float32),
            pltpu.VMEM((ROWS_PER_TILE, EMBED), jnp.float32),
            pltpu.SemaphoreType.DMA,
        ],
    )
    def k(x_hbm, x2_hbm, table_hbm, out_hbm, idx1_v, idx2_v, rows1_v,
          rows2_v, sem):
        wid = lax.axis_index("s") * NUM_CORES + lax.axis_index("c")
        base = wid * ROWS_PER_TILE
        for j in range(N_CHUNKS):
            sl = pl.ds(base + j * IDX_CHUNK, IDX_CHUNK)
            pltpu.sync_copy(x_hbm.at[sl], idx1_v.at[j])
            pltpu.sync_copy(x2_hbm.at[sl], idx2_v.at[j])
        copies = []
        for j in range(N_CHUNKS):
            dst = pl.ds(j * IDX_CHUNK, IDX_CHUNK)
            copies.append(pltpu.async_copy(
                table_hbm.at[idx1_v.at[j]], rows1_v.at[dst], sem))
            copies.append(pltpu.async_copy(
                table_hbm.at[idx2_v.at[j]], rows2_v.at[dst], sem))
        for cp in copies:
            cp.wait()

        def body(i, carry):
            for kk in range(EMBED // LANES):
                sl = pl.ds(kk * LANES, LANES)
                rows1_v[i, sl] = rows1_v[i, sl] * rows2_v[i, sl]
            return carry

        lax.fori_loop(0, ROWS_PER_TILE, body, 0)
        pltpu.sync_copy(rows1_v, out_hbm.at[pl.ds(base, ROWS_PER_TILE)])

    return k(x, x_, table)


def _tc_mlp(m, W1, b1r, W2r, b2r):
    BLK = 2048
    H = EMBED // 2

    def mlp_kernel(m_ref, W1_ref, b1_ref, W2_ref, b2_ref, out_ref):
        h = jnp.dot(m_ref[...], W1_ref[...],
                    preferred_element_type=jnp.float32)
        h = jnp.maximum(h + b1_ref[...], 0.0)
        o = jnp.sum(h * W2_ref[...], axis=1, keepdims=True) + b2_ref[...]
        out_ref[...] = 1.0 / (1.0 + jnp.exp(-o))

    return pl.pallas_call(
        mlp_kernel,
        grid=(BATCH // BLK,),
        in_specs=[
            pl.BlockSpec((BLK, EMBED), lambda i: (i, 0)),
            pl.BlockSpec((EMBED, H), lambda i: (0, 0)),
            pl.BlockSpec((1, H), lambda i: (0, 0)),
            pl.BlockSpec((1, H), lambda i: (0, 0)),
            pl.BlockSpec((1, 1), lambda i: (0, 0)),
        ],
        out_specs=pl.BlockSpec((BLK, 1), lambda i: (i, 0)),
        out_shape=jax.ShapeDtypeStruct((BATCH, 1), jnp.float32),
    )(m, W1, b1r, W2r, b2r)


def kernel(x, x_, table, W1, b1, W2, b2):
    x = x.astype(jnp.int32)
    x_ = x_.astype(jnp.int32)
    m = _sc_gather_mul(x, x_, table)
    b1r = b1.reshape(1, EMBED // 2)
    W2r = W2.reshape(1, EMBED // 2)
    b2r = b2.reshape(1, 1)
    return _tc_mlp(m, W1, b1r, W2r, b2r)

# --- scband reference (transcript-rebuilt; emitter-appended) ---
"""Pipeline reference for scband-edge-model-59365037965587 (READ-ONLY COPY).

The authoritative reference and input builder live on the scoring server;
editing this copy changes nothing except your own understanding.
"""

import jax, jax.numpy as jnp
import numpy as np

VOCAB = 1000000
EMBED = 64
BATCH = 16384

def setup_inputs(seed: int = 0) -> dict:
    key = jax.random.key(seed)
    k1, k2, k3, k4, k5, k6, k7 = jax.random.split(key, 7)
    x = jax.random.randint(k1, (BATCH,), 0, VOCAB, dtype=jnp.int64) if jax.config.jax_enable_x64 else jax.random.randint(k1, (BATCH,), 0, VOCAB).astype(jnp.int32)
    x_ = jax.random.randint(k2, (BATCH,), 0, VOCAB).astype(x.dtype)
    table = jax.random.normal(k3, (VOCAB, EMBED), dtype=jnp.float32) * 0.02
    # Linear 1: EMBED -> EMBED//2
    W1 = jax.random.normal(k4, (EMBED, EMBED // 2), dtype=jnp.float32) * (1.0 / np.sqrt(EMBED))
    b1 = jnp.zeros((EMBED // 2,), dtype=jnp.float32)
    # Linear 2: EMBED//2 -> 1
    W2 = jax.random.normal(k5, (EMBED // 2, 1), dtype=jnp.float32) * (1.0 / np.sqrt(EMBED // 2))
    b2 = jnp.zeros((1,), dtype=jnp.float32)
    return {"x": x, "x_": x_, "table": table, "W1": W1, "b1": b1, "W2": W2, "b2": b2}

def reference(x, x_, table, W1, b1, W2, b2):
    e1 = jnp.take(table, x, axis=0)       # [B, EMBED]
    e2 = jnp.take(table, x_, axis=0)      # [B, EMBED]
    h = e1 * e2                            # elementwise mul
    h = h @ W1 + b1
    h = jax.nn.relu(h)
    h = h @ W2 + b2
    out = jax.nn.sigmoid(h)                # [B, 1]
    return out

if __name__ == "__main__":
    import jax
    _d = setup_inputs()
    print(jax.jit(kernel)(*tuple(_d.values())))

</pallas_src>

<mosaic_0001>
#map = affine_map<(d0, d1) -> (0)>
#map1 = affine_map<(d0, d1) -> (0, 0)>
module attributes {stable_mosaic.version = 14 : i64} {
  func.func @k(%arg0: i32, %arg1: i32, %arg2: memref<16384xi32, #tpu.memory_space<hbm>>, %arg3: memref<16384xi32, #tpu.memory_space<hbm>>, %arg4: memref<1000000x64xf32, #tpu.memory_space<hbm>>, %arg5: memref<16384x64xf32, #tpu.memory_space<hbm>>, %arg6: memref<4x128xi32, #tpu.memory_space<vmem>>, %arg7: memref<4x128xi32, #tpu.memory_space<vmem>>, %arg8: memref<512x64xf32, #tpu.memory_space<vmem>>, %arg9: memref<512x64xf32, #tpu.memory_space<vmem>>, %arg10: memref<!tpu.dma_semaphore, #tpu.memory_space<semaphore_mem>>) attributes {dimension_semantics = [#tpu.dimension_semantics<core_parallel>, #tpu.dimension_semantics<subcore_parallel>], iteration_bounds = array<i64: 2, 16>, scalar_prefetch = 0 : i64, scratch_operands = 5 : i64, tpu.core_type = #tpu.core_type<sc_vector_subcore>, window_params = [{transform_indices = #map}, {transform_indices = #map}, {transform_indices = #map1}, {transform_indices = #map1}]} {
    %mul3A = arith.constant 2 : i32
    %mul3A_0 = arith.muli %arg1, %mul3A : i32
    %add3A = arith.addi %mul3A_0, %arg0 : i32
    %mul3A_1 = arith.constant 512 : i32
    %mul3A_2 = arith.muli %add3A, %mul3A_1 : i32
    %add3A_3 = arith.constant 0 : i32
    %add3A_4 = arith.addi %mul3A_2, %add3A_3 : i32
    %run_scoped3A = arith.constant 0 : i32
    "tpu.region"() ({
      %run_scoped3A_181 = tpu.sem_alloc : memref<!tpu.dma_semaphore, #tpu.memory_space<semaphore_mem>>
      %dma_start3A_182 = arith.constant 0 : i32
      %dma_start3A_183 = tpu.memref_slice %arg6[%run_scoped3A, %dma_start3A_182] : memref<4x128xi32, #tpu.memory_space<vmem>> -> memref<1x128xi32, #tpu.memory_space<vmem>>
      %dma_start3A_184 = tpu.memref_squeeze %dma_start3A_183 : memref<1x128xi32, #tpu.memory_space<vmem>> -> memref<128xi32, #tpu.memory_space<vmem>>
      %dma_start3A_185 = tpu.memref_slice %arg2[%add3A_4] : memref<16384xi32, #tpu.memory_space<hbm>> -> memref<128xi32, #tpu.memory_space<hbm>>
      %dma_start3A_186 = arith.constant 0 : i32
      %dma_start3A_187 = tpu.memref_slice %arg6[%run_scoped3A, %dma_start3A_186] : memref<4x128xi32, #tpu.memory_space<vmem>> -> memref<1x128xi32, #tpu.memory_space<vmem>>
      %dma_start3A_188 = tpu.memref_squeeze %dma_start3A_187 : memref<1x128xi32, #tpu.memory_space<vmem>> -> memref<128xi32, #tpu.memory_space<vmem>>
      %dma_start3A_189 = tpu.memref_slice %arg2[%add3A_4] : memref<16384xi32, #tpu.memory_space<hbm>> -> memref<128xi32, #tpu.memory_space<hbm>>
      tpu.enqueue_dma source(%dma_start3A_189 : memref<128xi32, #tpu.memory_space<hbm>>) target(%dma_start3A_188 : memref<128xi32, #tpu.memory_space<vmem>>) target_semaphore(%run_scoped3A_181 : memref<!tpu.dma_semaphore, #tpu.memory_space<semaphore_mem>>)
      %dma_wait3A_190 = arith.constant 0 : i32
      %dma_wait3A_191 = tpu.memref_slice %arg6[%run_scoped3A, %dma_wait3A_190] : memref<4x128xi32, #tpu.memory_space<vmem>> -> memref<1x128xi32, #tpu.memory_space<vmem>>
      %dma_wait3A_192 = tpu.memref_squeeze %dma_wait3A_191 : memref<1x128xi32, #tpu.memory_space<vmem>> -> memref<128xi32, #tpu.memory_space<vmem>>
      %dma_wait3A_193 = tpu.memref_slice %arg2[%add3A_4] : memref<16384xi32, #tpu.memory_space<hbm>> -> memref<128xi32, #tpu.memory_space<hbm>>
      %dma_wait3A_194 = arith.constant 0 : i32
      %dma_wait3A_195 = tpu.memref_slice %arg6[%run_scoped3A, %dma_wait3A_194] : memref<4x128xi32, #tpu.memory_space<vmem>> -> memref<1x128xi32, #tpu.memory_space<vmem>>
      %dma_wait3A_196 = tpu.memref_squeeze %dma_wait3A_195 : memref<1x128xi32, #tpu.memory_space<vmem>> -> memref<128xi32, #tpu.memory_space<vmem>>
      %dma_wait3A_197 = tpu.memref_slice %arg2[%add3A_4] : memref<16384xi32, #tpu.memory_space<hbm>> -> memref<128xi32, #tpu.memory_space<hbm>>
      tpu.wait_dma2 semaphore(%run_scoped3A_181 : memref<!tpu.dma_semaphore, #tpu.memory_space<semaphore_mem>>) src(%dma_wait3A_197 : memref<128xi32, #tpu.memory_space<hbm>>) dst(%dma_wait3A_196 : memref<128xi32, #tpu.memory_space<vmem>>)
      tpu.yield
    }) : () -> ()
    %run_scoped3A_5 = arith.constant 0 : i32
    "tpu.region"() ({
      %run_scoped3A_181 = tpu.sem_alloc : memref<!tpu.dma_semaphore, #tpu.memory_space<semaphore_mem>>
      %dma_start3A_182 = arith.constant 0 : i32
      %dma_start3A_183 = tpu.memref_slice %arg7[%run_scoped3A_5, %dma_start3A_182] : memref<4x128xi32, #tpu.memory_space<vmem>> -> memref<1x128xi32, #tpu.memory_space<vmem>>
      %dma_start3A_184 = tpu.memref_squeeze %dma_start3A_183 : memref<1x128xi32, #tpu.memory_space<vmem>> -> memref<128xi32, #tpu.memory_space<vmem>>
      %dma_start3A_185 = tpu.memref_slice %arg3[%add3A_4] : memref<16384xi32, #tpu.memory_space<hbm>> -> memref<128xi32, #tpu.memory_space<hbm>>
      %dma_start3A_186 = arith.constant 0 : i32
      %dma_start3A_187 = tpu.memref_slice %arg7[%run_scoped3A_5, %dma_start3A_186] : memref<4x128xi32, #tpu.memory_space<vmem>> -> memref<1x128xi32, #tpu.memory_space<vmem>>
      %dma_start3A_188 = tpu.memref_squeeze %dma_start3A_187 : memref<1x128xi32, #tpu.memory_space<vmem>> -> memref<128xi32, #tpu.memory_space<vmem>>
      %dma_start3A_189 = tpu.memref_slice %arg3[%add3A_4] : memref<16384xi32, #tpu.memory_space<hbm>> -> memref<128xi32, #tpu.memory_space<hbm>>
      tpu.enqueue_dma source(%dma_start3A_189 : memref<128xi32, #tpu.memory_space<hbm>>) target(%dma_start3A_188 : memref<128xi32, #tpu.memory_space<vmem>>) target_semaphore(%run_scoped3A_181 : memref<!tpu.dma_semaphore, #tpu.memory_space<semaphore_mem>>)
      %dma_wait3A_190 = arith.constant 0 : i32
      %dma_wait3A_191 = tpu.memref_slice %arg7[%run_scoped3A_5, %dma_wait3A_190] : memref<4x128xi32, #tpu.memory_space<vmem>> -> memref<1x128xi32, #tpu.memory_space<vmem>>
      %dma_wait3A_192 = tpu.memref_squeeze %dma_wait3A_191 : memref<1x128xi32, #tpu.memory_space<vmem>> -> memref<128xi32, #tpu.memory_space<vmem>>
      %dma_wait3A_193 = tpu.memref_slice %arg3[%add3A_4] : memref<16384xi32, #tpu.memory_space<hbm>> -> memref<128xi32, #tpu.memory_space<hbm>>
      %dma_wait3A_194 = arith.constant 0 : i32
      %dma_wait3A_195 = tpu.memref_slice %arg7[%run_scoped3A_5, %dma_wait3A_194] : memref<4x128xi32, #tpu.memory_space<vmem>> -> memref<1x128xi32, #tpu.memory_space<vmem>>
      %dma_wait3A_196 = tpu.memref_squeeze %dma_wait3A_195 : memref<1x128xi32, #tpu.memory_space<vmem>> -> memref<128xi32, #tpu.memory_space<vmem>>
      %dma_wait3A_197 = tpu.memref_slice %arg3[%add3A_4] : memref<16384xi32, #tpu.memory_space<hbm>> -> memref<128xi32, #tpu.memory_space<hbm>>
      tpu.wait_dma2 semaphore(%run_scoped3A_181 : memref<!tpu.dma_semaphore, #tpu.memory_space<semaphore_mem>>) src(%dma_wait3A_197 : memref<128xi32, #tpu.memory_space<hbm>>) dst(%dma_wait3A_196 : memref<128xi32, #tpu.memory_space<vmem>>)
      tpu.yield
    }) : () -> ()
    %add3A_6 = arith.constant 128 : i32
    %add3A_7 = arith.addi %mul3A_2, %add3A_6 : i32
    %run_scoped3A_8 = arith.constant 1 : i32
    "tpu.region"() ({
      %run_scoped3A_181 = tpu.sem_alloc : memref<!tpu.dma_semaphore, #tpu.memory_space<semaphore_mem>>
      %dma_start3A_182 = arith.constant 0 : i32
      %dma_start3A_183 = tpu.memref_slice %arg6[%run_scoped3A_8, %dma_start3A_182] : memref<4x128xi32, #tpu.memory_space<vmem>> -> memref<1x128xi32, #tpu.memory_space<vmem>>
      %dma_start3A_184 = tpu.memref_squeeze %dma_start3A_183 : memref<1x128xi32, #tpu.memory_space<vmem>> -> memref<128xi32, #tpu.memory_space<vmem>>
      %dma_start3A_185 = tpu.memref_slice %arg2[%add3A_7] : memref<16384xi32, #tpu.memory_space<hbm>> -> memref<128xi32, #tpu.memory_space<hbm>>
      %dma_start3A_186 = arith.constant 0 : i32
      %dma_start3A_187 = tpu.memref_slice %arg6[%run_scoped3A_8, %dma_start3A_186] : memref<4x128xi32, #tpu.memory_space<vmem>> -> memref<1x128xi32, #tpu.memory_space<vmem>>
      %dma_start3A_188 = tpu.memref_squeeze %dma_start3A_187 : memref<1x128xi32, #tpu.memory_space<vmem>> -> memref<128xi32, #tpu.memory_space<vmem>>
      %dma_start3A_189 = tpu.memref_slice %arg2[%add3A_7] : memref<16384xi32, #tpu.memory_space<hbm>> -> memref<128xi32, #tpu.memory_space<hbm>>
      tpu.enqueue_dma source(%dma_start3A_189 : memref<128xi32, #tpu.memory_space<hbm>>) target(%dma_start3A_188 : memref<128xi32, #tpu.memory_space<vmem>>) target_semaphore(%run_scoped3A_181 : memref<!tpu.dma_semaphore, #tpu.memory_space<semaphore_mem>>)
      %dma_wait3A_190 = arith.constant 0 : i32
      %dma_wait3A_191 = tpu.memref_slice %arg6[%run_scoped3A_8, %dma_wait3A_190] : memref<4x128xi32, #tpu.memory_space<vmem>> -> memref<1x128xi32, #tpu.memory_space<vmem>>
      %dma_wait3A_192 = tpu.memref_squeeze %dma_wait3A_191 : memref<1x128xi32, #tpu.memory_space<vmem>> -> memref<128xi32, #tpu.memory_space<vmem>>
      %dma_wait3A_193 = tpu.memref_slice %arg2[%add3A_7] : memref<16384xi32, #tpu.memory_space<hbm>> -> memref<128xi32, #tpu.memory_space<hbm>>
      %dma_wait3A_194 = arith.constant 0 : i32
      %dma_wait3A_195 = tpu.memref_slice %arg6[%run_scoped3A_8, %dma_wait3A_194] : memref<4x128xi32, #tpu.memory_space<vmem>> -> memref<1x128xi32, #tpu.memory_space<vmem>>
      %dma_wait3A_196 = tpu.memref_squeeze %dma_wait3A_195 : memref<1x128xi32, #tpu.memory_space<vmem>> -> memref<128xi32, #tpu.memory_space<vmem>>
      %dma_wait3A_197 = tpu.memref_slice %arg2[%add3A_7] : memref<16384xi32, #tpu.memory_space<hbm>> -> memref<128xi32, #tpu.memory_space<hbm>>
      tpu.wait_dma2 semaphore(%run_scoped3A_181 : memref<!tpu.dma_semaphore, #tpu.memory_space<semaphore_mem>>) src(%dma_wait3A_197 : memref<128xi32, #tpu.memory_space<hbm>>) dst(%dma_wait3A_196 : memref<128xi32, #tpu.memory_space<vmem>>)
      tpu.yield
    }) : () -> ()
    %run_scoped3A_9 = arith.constant 1 : i32
    "tpu.region"() ({
      %run_scoped3A_181 = tpu.sem_alloc : memref<!tpu.dma_semaphore, #tpu.memory_space<semaphore_mem>>
      %dma_start3A_182 = arith.constant 0 : i32
      %dma_start3A_183 = tpu.memref_slice %arg7[%run_scoped3A_9, %dma_start3A_182] : memref<4x128xi32, #tpu.memory_space<vmem>> -> memref<1x128xi32, #tpu.memory_space<vmem>>
      %dma_start3A_184 = tpu.memref_squeeze %dma_start3A_183 : memref<1x128xi32, #tpu.memory_space<vmem>> -> memref<128xi32, #tpu.memory_space<vmem>>
      %dma_start3A_185 = tpu.memref_slice %arg3[%add3A_7] : memref<16384xi32, #tpu.memory_space<hbm>> -> memref<128xi32, #tpu.memory_space<hbm>>
      %dma_start3A_186 = arith.constant 0 : i32
      %dma_start3A_187 = tpu.memref_slice %arg7[%run_scoped3A_9, %dma_start3A_186] : memref<4x128xi32, #tpu.memory_space<vmem>> -> memref<1x128xi32, #tpu.memory_space<vmem>>
      %dma_start3A_188 = tpu.memref_squeeze %dma_start3A_187 : memref<1x128xi32, #tpu.memory_space<vmem>> -> memref<128xi32, #tpu.memory_space<vmem>>
      %dma_start3A_189 = tpu.memref_slice %arg3[%add3A_7] : memref<16384xi32, #tpu.memory_space<hbm>> -> memref<128xi32, #tpu.memory_space<hbm>>
      tpu.enqueue_dma source(%dma_start3A_189 : memref<128xi32, #tpu.memory_space<hbm>>) target(%dma_start3A_188 : memref<128xi32, #tpu.memory_space<vmem>>) target_semaphore(%run_scoped3A_181 : memref<!tpu.dma_semaphore, #tpu.memory_space<semaphore_mem>>)
      %dma_wait3A_190 = arith.constant 0 : i32
      %dma_wait3A_191 = tpu.memref_slice %arg7[%run_scoped3A_9, %dma_wait3A_190] : memref<4x128xi32, #tpu.memory_space<vmem>> -> memref<1x128xi32, #tpu.memory_space<vmem>>
      %dma_wait3A_192 = tpu.memref_squeeze %dma_wait3A_191 : memref<1x128xi32, #tpu.memory_space<vmem>> -> memref<128xi32, #tpu.memory_space<vmem>>
      %dma_wait3A_193 = tpu.memref_slice %arg3[%add3A_7] : memref<16384xi32, #tpu.memory_space<hbm>> -> memref<128xi32, #tpu.memory_space<hbm>>
      %dma_wait3A_194 = arith.constant 0 : i32
      %dma_wait3A_195 = tpu.memref_slice %arg7[%run_scoped3A_9, %dma_wait3A_194] : memref<4x128xi32, #tpu.memory_space<vmem>> -> memref<1x128xi32, #tpu.memory_space<vmem>>
      %dma_wait3A_196 = tpu.memref_squeeze %dma_wait3A_195 : memref<1x128xi32, #tpu.memory_space<vmem>> -> memref<128xi32, #tpu.memory_space<vmem>>
      %dma_wait3A_197 = tpu.memref_slice %arg3[%add3A_7] : memref<16384xi32, #tpu.memory_space<hbm>> -> memref<128xi32, #tpu.memory_space<hbm>>
      tpu.wait_dma2 semaphore(%run_scoped3A_181 : memref<!tpu.dma_semaphore, #tpu.memory_space<semaphore_mem>>) src(%dma_wait3A_197 : memref<128xi32, #tpu.memory_space<hbm>>) dst(%dma_wait3A_196 : memref<128xi32, #tpu.memory_space<vmem>>)
      tpu.yield
    }) : () -> ()
    %add3A_10 = arith.constant 256 : i32
    %add3A_11 = arith.addi %mul3A_2, %add3A_10 : i32
    %run_scoped3A_12 = arith.constant 2 : i32
    "tpu.region"() ({
      %run_scoped3A_181 = tpu.sem_alloc : memref<!tpu.dma_semaphore, #tpu.memory_space<semaphore_mem>>
      %dma_start3A_182 = arith.constant 0 : i32
      %dma_start3A_183 = tpu.memref_slice %arg6[%run_scoped3A_12, %dma_start3A_182] : memref<4x128xi32, #tpu.memory_space<vmem>> -> memref<1x128xi32, #tpu.memory_space<vmem>>
      %dma_start3A_184 = tpu.memref_squeeze %dma_start3A_183 : memref<1x128xi32, #tpu.memory_space<vmem>> -> memref<128xi32, #tpu.memory_space<vmem>>
      %dma_start3A_185 = tpu.memref_slice %arg2[%add3A_11] : memref<16384xi32, #tpu.memory_space<hbm>> -> memref<128xi32, #tpu.memory_space<hbm>>
      %dma_start3A_186 = arith.constant 0 : i32
      %dma_start3A_187 = tpu.memref_slice %arg6[%run_scoped3A_12, %dma_start3A_186] : memref<4x128xi32, #tpu.memory_space<vmem>> -> memref<1x128xi32, #tpu.memory_space<vmem>>
      %dma_start3A_188 = tpu.memref_squeeze %dma_start3A_187 : memref<1x128xi32, #tpu.memory_space<vmem>> -> memref<128xi32, #tpu.memory_space<vmem>>
      %dma_start3A_189 = tpu.memref_slice %arg2[%add3A_11] : memref<16384xi32, #tpu.memory_space<hbm>> -> memref<128xi32, #tpu.memory_space<hbm>>
      tpu.enqueue_dma source(%dma_start3A_189 : memref<128xi32, #tpu.memory_space<hbm>>) target(%dma_start3A_188 : memref<128xi32, #tpu.memory_space<vmem>>) target_semaphore(%run_scoped3A_181 : memref<!tpu.dma_semaphore, #tpu.memory_space<semaphore_mem>>)
      %dma_wait3A_190 = arith.constant 0 : i32
      %dma_wait3A_191 = tpu.memref_slice %arg6[%run_scoped3A_12, %dma_wait3A_190] : memref<4x128xi32, #tpu.memory_space<vmem>> -> memref<1x128xi32, #tpu.memory_space<vmem>>
      %dma_wait3A_192 = tpu.memref_squeeze %dma_wait3A_191 : memref<1x128xi32, #tpu.memory_space<vmem>> -> memref<128xi32, #tpu.memory_space<vmem>>
      %dma_wait3A_193 = tpu.memref_slice %arg2[%add3A_11] : memref<16384xi32, #tpu.memory_space<hbm>> -> memref<128xi32, #tpu.memory_space<hbm>>
      %dma_wait3A_194 = arith.constant 0 : i32
      %dma_wait3A_195 = tpu.memref_slice %arg6[%run_scoped3A_12, %dma_wait3A_194] : memref<4x128xi32, #tpu.memory_space<vmem>> -> memref<1x128xi32, #tpu.memory_space<vmem>>
      %dma_wait3A_196 = tpu.memref_squeeze %dma_wait3A_195 : memref<1x128xi32, #tpu.memory_space<vmem>> -> memref<128xi32, #tpu.memory_space<vmem>>
      %dma_wait3A_197 = tpu.memref_slice %arg2[%add3A_11] : memref<16384xi32, #tpu.memory_space<hbm>> -> memref<128xi32, #tpu.memory_space<hbm>>
      tpu.wait_dma2 semaphore(%run_scoped3A_181 : memref<!tpu.dma_semaphore, #tpu.memory_space<semaphore_mem>>) src(%dma_wait3A_197 : memref<128xi32, #tpu.memory_space<hbm>>) dst(%dma_wait3A_196 : memref<128xi32, #tpu.memory_space<vmem>>)
      tpu.yield
    }) : () -> ()
    %run_scoped3A_13 = arith.constant 2 : i32
    "tpu.region"() ({
      %run_scoped3A_181 = tpu.sem_alloc : memref<!tpu.dma_semaphore, #tpu.memory_space<semaphore_mem>>
      %dma_start3A_182 = arith.constant 0 : i32
      %dma_start3A_183 = tpu.memref_slice %arg7[%run_scoped3A_13, %dma_start3A_182] : memref<4x128xi32, #tpu.memory_space<vmem>> -> memref<1x128xi32, #tpu.memory_space<vmem>>
      %dma_start3A_184 = tpu.memref_squeeze %dma_start3A_183 : memref<1x128xi32, #tpu.memory_space<vmem>> -> memref<128xi32, #tpu.memory_space<vmem>>
      %dma_start3A_185 = tpu.memref_slice %arg3[%add3A_11] : memref<16384xi32, #tpu.memory_space<hbm>> -> memref<128xi32, #tpu.memory_space<hbm>>
      %dma_start3A_186 = arith.constant 0 : i32
      %dma_start3A_187 = tpu.memref_slice %arg7[%run_scoped3A_13, %dma_start3A_186] : memref<4x128xi32, #tpu.memory_space<vmem>> -> memref<1x128xi32, #tpu.memory_space<vmem>>
      %dma_start3A_188 = tpu.memref_squeeze %dma_start3A_187 : memref<1x128xi32, #tpu.memory_space<vmem>> -> memref<128xi32, #tpu.memory_space<vmem>>
      %dma_start3A_189 = tpu.memref_slice %arg3[%add3A_11] : memref<16384xi32, #tpu.memory_space<hbm>> -> memref<128xi32, #tpu.memory_space<hbm>>
      tpu.enqueue_dma source(%dma_start3A_189 : memref<128xi32, #tpu.memory_space<hbm>>) target(%dma_start3A_188 : memref<128xi32, #tpu.memory_space<vmem>>) target_semaphore(%run_scoped3A_181 : memref<!tpu.dma_semaphore, #tpu.memory_space<semaphore_mem>>)
      %dma_wait3A_190 = arith.constant 0 : i32
      %dma_wait3A_191 = tpu.memref_slice %arg7[%run_scoped3A_13, %dma_wait3A_190] : memref<4x128xi32, #tpu.memory_space<vmem>> -> memref<1x128xi32, #tpu.memory_space<vmem>>
      %dma_wait3A_192 = tpu.memref_squeeze %dma_wait3A_191 : memref<1x128xi32, #tpu.memory_space<vmem>> -> memref<128xi32, #tpu.memory_space<vmem>>
      %dma_wait3A_193 = tpu.memref_slice %arg3[%add3A_11] : memref<16384xi32, #tpu.memory_space<hbm>> -> memref<128xi32, #tpu.memory_space<hbm>>
      %dma_wait3A_194 = arith.constant 0 : i32
      %dma_wait3A_195 = tpu.memref_slice %arg7[%run_scoped3A_13, %dma_wait3A_194] : memref<4x128xi32, #tpu.memory_space<vmem>> -> memref<1x128xi32, #tpu.memory_space<vmem>>
      %dma_wait3A_196 = tpu.memref_squeeze %dma_wait3A_195 : memref<1x128xi32, #tpu.memory_space<vmem>> -> memref<128xi32, #tpu.memory_space<vmem>>
      %dma_wait3A_197 = tpu.memref_slice %arg3[%add3A_11] : memref<16384xi32, #tpu.memory_space<hbm>> -> memref<128xi32, #tpu.memory_space<hbm>>
      tpu.wait_dma2 semaphore(%run_scoped3A_181 : memref<!tpu.dma_semaphore, #tpu.memory_space<semaphore_mem>>) src(%dma_wait3A_197 : memref<128xi32, #tpu.memory_space<hbm>>) dst(%dma_wait3A_196 : memref<128xi32, #tpu.memory_space<vmem>>)
      tpu.yield
    }) : () -> ()
    %add3A_14 = arith.constant 384 : i32
    %add3A_15 = arith.addi %mul3A_2, %add3A_14 : i32
    %run_scoped3A_16 = arith.constant 3 : i32
    "tpu.region"() ({
      %run_scoped3A_181 = tpu.sem_alloc : memref<!tpu.dma_semaphore, #tpu.memory_space<semaphore_mem>>
      %dma_start3A_182 = arith.constant 0 : i32
      %dma_start3A_183 = tpu.memref_slice %arg6[%run_scoped3A_16, %dma_start3A_182] : memref<4x128xi32, #tpu.memory_space<vmem>> -> memref<1x128xi32, #tpu.memory_space<vmem>>
      %dma_start3A_184 = tpu.memref_squeeze %dma_start3A_183 : memref<1x128xi32, #tpu.memory_space<vmem>> -> memref<128xi32, #tpu.memory_space<vmem>>
      %dma_start3A_185 = tpu.memref_slice %arg2[%add3A_15] : memref<16384xi32, #tpu.memory_space<hbm>> -> memref<128xi32, #tpu.memory_space<hbm>>
      %dma_start3A_186 = arith.constant 0 : i32
      %dma_start3A_187 = tpu.memref_slice %arg6[%run_scoped3A_16, %dma_start3A_186] : memref<4x128xi32, #tpu.memory_space<vmem>> -> memref<1x128xi32, #tpu.memory_space<vmem>>
      %dma_start3A_188 = tpu.memref_squeeze %dma_start3A_187 : memref<1x128xi32, #tpu.memory_space<vmem>> -> memref<128xi32, #tpu.memory_space<vmem>>
      %dma_start3A_189 = tpu.memref_slice %arg2[%add3A_15] : memref<16384xi32, #tpu.memory_space<hbm>> -> memref<128xi32, #tpu.memory_space<hbm>>
      tpu.enqueue_dma source(%dma_start3A_189 : memref<128xi32, #tpu.memory_space<hbm>>) target(%dma_start3A_188 : memref<128xi32, #tpu.memory_space<vmem>>) target_semaphore(%run_scoped3A_181 : memref<!tpu.dma_semaphore, #tpu.memory_space<semaphore_mem>>)
      %dma_wait3A_190 = arith.constant 0 : i32
      %dma_wait3A_191 = tpu.memref_slice %arg6[%run_scoped3A_16, %dma_wait3A_190] : memref<4x128xi32, #tpu.memory_space<vmem>> -> memref<1x128xi32, #tpu.memory_space<vmem>>
      %dma_wait3A_192 = tpu.memref_squeeze %dma_wait3A_191 : memref<1x128xi32, #tpu.memory_space<vmem>> -> memref<128xi32, #tpu.memory_space<vmem>>
      %dma_wait3A_193 = tpu.memref_slice %arg2[%add3A_15] : memref<16384xi32, #tpu.memory_space<hbm>> -> memref<128xi32, #tpu.memory_space<hbm>>
      %dma_wait3A_194 = arith.constant 0 : i32
      %dma_wait3A_195 = tpu.memref_slice %arg6[%run_scoped3A_16, %dma_wait3A_194] : memref<4x128xi32, #tpu.memory_space<vmem>> -> memref<1x128xi32, #tpu.memory_space<vmem>>
      %dma_wait3A_196 = tpu.memref_squeeze %dma_wait3A_195 : memref<1x128xi32, #tpu.memory_space<vmem>> -> memref<128xi32, #tpu.memory_space<vmem>>
      %dma_wait3A_197 = tpu.memref_slice %arg2[%add3A_15] : memref<16384xi32, #tpu.memory_space<hbm>> -> memref<128xi32, #tpu.memory_space<hbm>>
      tpu.wait_dma2 semaphore(%run_scoped3A_181 : memref<!tpu.dma_semaphore, #tpu.memory_space<semaphore_mem>>) src(%dma_wait3A_197 : memref<128xi32, #tpu.memory_space<hbm>>) dst(%dma_wait3A_196 : memref<128xi32, #tpu.memory_space<vmem>>)
      tpu.yield
    }) : () -> ()
    %run_scoped3A_17 = arith.constant 3 : i32
    "tpu.region"() ({
      %run_scoped3A_181 = tpu.sem_alloc : memref<!tpu.dma_semaphore, #tpu.memory_space<semaphore_mem>>
      %dma_start3A_182 = arith.constant 0 : i32
      %dma_start3A_183 = tpu.memref_slice %arg7[%run_scoped3A_17, %dma_start3A_182] : memref<4x128xi32, #tpu.memory_space<vmem>> -> memref<1x128xi32, #tpu.memory_space<vmem>>
      %dma_start3A_184 = tpu.memref_squeeze %dma_start3A_183 : memref<1x128xi32, #tpu.memory_space<vmem>> -> memref<128xi32, #tpu.memory_space<vmem>>
      %dma_start3A_185 = tpu.memref_slice %arg3[%add3A_15] : memref<16384xi32, #tpu.memory_space<hbm>> -> memref<128xi32, #tpu.memory_space<hbm>>
      %dma_start3A_186 = arith.constant 0 : i32
      %dma_start3A_187 = tpu.memref_slice %arg7[%run_scoped3A_17, %dma_start3A_186] : memref<4x128xi32, #tpu.memory_space<vmem>> -> memref<1x128xi32, #tpu.memory_space<vmem>>
      %dma_start3A_188 = tpu.memref_squeeze %dma_start3A_187 : memref<1x128xi32, #tpu.memory_space<vmem>> -> memref<128xi32, #tpu.memory_space<vmem>>
      %dma_start3A_189 = tpu.memref_slice %arg3[%add3A_15] : memref<16384xi32, #tpu.memory_space<hbm>> -> memref<128xi32, #tpu.memory_space<hbm>>
      tpu.enqueue_dma source(%dma_start3A_189 : memref<128xi32, #tpu.memory_space<hbm>>) target(%dma_start3A_188 : memref<128xi32, #tpu.memory_space<vmem>>) target_semaphore(%run_scoped3A_181 : memref<!tpu.dma_semaphore, #tpu.memory_space<semaphore_mem>>)
      %dma_wait3A_190 = arith.constant 0 : i32
      %dma_wait3A_191 = tpu.memref_slice %arg7[%run_scoped3A_17, %dma_wait3A_190] : memref<4x128xi32, #tpu.memory_space<vmem>> -> memref<1x128xi32, #tpu.memory_space<vmem>>
      %dma_wait3A_192 = tpu.memref_squeeze %dma_wait3A_191 : memref<1x128xi32, #tpu.memory_space<vmem>> -> memref<128xi32, #tpu.memory_space<vmem>>
      %dma_wait3A_193 = tpu.memref_slice %arg3[%add3A_15] : memref<16384xi32, #tpu.memory_space<hbm>> -> memref<128xi32, #tpu.memory_space<hbm>>
      %dma_wait3A_194 = arith.constant 0 : i32
      %dma_wait3A_195 = tpu.memref_slice %arg7[%run_scoped3A_17, %dma_wait3A_194] : memref<4x128xi32, #tpu.memory_space<vmem>> -> memref<1x128xi32, #tpu.memory_space<vmem>>
      %dma_wait3A_196 = tpu.memref_squeeze %dma_wait3A_195 : memref<1x128xi32, #tpu.memory_space<vmem>> -> memref<128xi32, #tpu.memory_space<vmem>>
      %dma_wait3A_197 = tpu.memref_slice %arg3[%add3A_15] : memref<16384xi32, #tpu.memory_space<hbm>> -> memref<128xi32, #tpu.memory_space<hbm>>
      tpu.wait_dma2 semaphore(%run_scoped3A_181 : memref<!tpu.dma_semaphore, #tpu.memory_space<semaphore_mem>>) src(%dma_wait3A_197 : memref<128xi32, #tpu.memory_space<hbm>>) dst(%dma_wait3A_196 : memref<128xi32, #tpu.memory_space<vmem>>)
      tpu.yield
    }) : () -> ()
    %dma_start3A = arith.constant 0 : i32
    %dma_start3A_18 = arith.constant 0 : i32
    %dma_start3A_19 = arith.constant 0 : i32
    %dma_start3A_20 = tpu.memref_slice %arg8[%dma_start3A_18, %dma_start3A_19] : memref<512x64xf32, #tpu.memory_space<vmem>> -> memref<128x64xf32, #tpu.memory_space<vmem>>
    %dma_start3A_21 = arith.constant 0 : i32
    %dma_start3A_22 = tpu.memref_slice %arg6[%dma_start3A, %dma_start3A_21] : memref<4x128xi32, #tpu.memory_space<vmem>> -> memref<1x128xi32, #tpu.memory_space<vmem>>
    %dma_start3A_23 = tpu.memref_squeeze %dma_start3A_22 : memref<1x128xi32, #tpu.memory_space<vmem>> -> memref<128xi32, #tpu.memory_space<vmem>>
    %dma_start3A_24 = arith.constant 0 : i32
    %dma_start3A_25 = arith.constant 0 : i32
    %dma_start3A_26 = tpu.memref_slice %arg4[%dma_start3A_24, %dma_start3A_25] : memref<1000000x64xf32, #tpu.memory_space<hbm>> -> memref<1000000x64xf32, #tpu.memory_space<hbm>>
    tpu.enqueue_indirect_dma source(%dma_start3A_26 : memref<1000000x64xf32, #tpu.memory_space<hbm>>) target(%dma_start3A_20 : memref<128x64xf32, #tpu.memory_space<vmem>>) offsets(%dma_start3A_23 : memref<128xi32, #tpu.memory_space<vmem>>) semaphore(%arg10 : memref<!tpu.dma_semaphore, #tpu.memory_space<semaphore_mem>>)
    %dma_start3A_27 = arith.constant 0 : i32
    %dma_start3A_28 = arith.constant 0 : i32
    %dma_start3A_29 = arith.constant 0 : i32
    %dma_start3A_30 = tpu.memref_slice %arg9[%dma_start3A_28, %dma_start3A_29] : memref<512x64xf32, #tpu.memory_space<vmem>> -> memref<128x64xf32, #tpu.memory_space<vmem>>
    %dma_start3A_31 = arith.constant 0 : i32
    %dma_start3A_32 = tpu.memref_slice %arg7[%dma_start3A_27, %dma_start3A_31] : memref<4x128xi32, #tpu.memory_space<vmem>> -> memref<1x128xi32, #tpu.memory_space<vmem>>
    %dma_start3A_33 = tpu.memref_squeeze %dma_start3A_32 : memref<1x128xi32, #tpu.memory_space<vmem>> -> memref<128xi32, #tpu.memory_space<vmem>>
    %dma_start3A_34 = arith.constant 0 : i32
    %dma_start3A_35 = arith.constant 0 : i32
    %dma_start3A_36 = tpu.memref_slice %arg4[%dma_start3A_34, %dma_start3A_35] : memref<1000000x64xf32, #tpu.memory_space<hbm>> -> memref<1000000x64xf32, #tpu.memory_space<hbm>>
    tpu.enqueue_indirect_dma source(%dma_start3A_36 : memref<1000000x64xf32, #tpu.memory_space<hbm>>) target(%dma_start3A_30 : memref<128x64xf32, #tpu.memory_space<vmem>>) offsets(%dma_start3A_33 : memref<128xi32, #tpu.memory_space<vmem>>) semaphore(%arg10 : memref<!tpu.dma_semaphore, #tpu.memory_space<semaphore_mem>>)
    %dma_start3A_37 = arith.constant 1 : i32
    %dma_start3A_38 = arith.constant 128 : i32
    %dma_start3A_39 = arith.constant 0 : i32
    %dma_start3A_40 = tpu.memref_slice %arg8[%dma_start3A_38, %dma_start3A_39] : memref<512x64xf32, #tpu.memory_space<vmem>> -> memref<128x64xf32, #tpu.memory_space<vmem>>
    %dma_start3A_41 = arith.constant 0 : i32
    %dma_start3A_42 = tpu.memref_slice %arg6[%dma_start3A_37, %dma_start3A_41] : memref<4x128xi32, #tpu.memory_space<vmem>> -> memref<1x128xi32, #tpu.memory_space<vmem>>
    %dma_start3A_43 = tpu.memref_squeeze %dma_start3A_42 : memref<1x128xi32, #tpu.memory_space<vmem>> -> memref<128xi32, #tpu.memory_space<vmem>>
    %dma_start3A_44 = arith.constant 0 : i32
    %dma_start3A_45 = arith.constant 0 : i32
    %dma_start3A_46 = tpu.memref_slice %arg4[%dma_start3A_44, %dma_start3A_45] : memref<1000000x64xf32, #tpu.memory_space<hbm>> -> memref<1000000x64xf32, #tpu.memory_space<hbm>>
    tpu.enqueue_indirect_dma source(%dma_start3A_46 : memref<1000000x64xf32, #tpu.memory_space<hbm>>) target(%dma_start3A_40 : memref<128x64xf32, #tpu.memory_space<vmem>>) offsets(%dma_start3A_43 : memref<128xi32, #tpu.memory_space<vmem>>) semaphore(%arg10 : memref<!tpu.dma_semaphore, #tpu.memory_space<semaphore_mem>>)
    %dma_start3A_47 = arith.constant 1 : i32
    %dma_start3A_48 = arith.constant 128 : i32
    %dma_start3A_49 = arith.constant 0 : i32
    %dma_start3A_50 = tpu.memref_slice %arg9[%dma_start3A_48, %dma_start3A_49] : memref<512x64xf32, #tpu.memory_space<vmem>> -> memref<128x64xf32, #tpu.memory_space<vmem>>
    %dma_start3A_51 = arith.constant 0 : i32
    %dma_start3A_52 = tpu.memref_slice %arg7[%dma_start3A_47, %dma_start3A_51] : memref<4x128xi32, #tpu.memory_space<vmem>> -> memref<1x128xi32, #tpu.memory_space<vmem>>
    %dma_start3A_53 = tpu.memref_squeeze %dma_start3A_52 : memref<1x128xi32, #tpu.memory_space<vmem>> -> memref<128xi32, #tpu.memory_space<vmem>>
    %dma_start3A_54 = arith.constant 0 : i32
    %dma_start3A_55 = arith.constant 0 : i32
    %dma_start3A_56 = tpu.memref_slice %arg4[%dma_start3A_54, %dma_start3A_55] : memref<1000000x64xf32, #tpu.memory_space<hbm>> -> memref<1000000x64xf32, #tpu.memory_space<hbm>>
    tpu.enqueue_indirect_dma source(%dma_start3A_56 : memref<1000000x64xf32, #tpu.memory_space<hbm>>) target(%dma_start3A_50 : memref<128x64xf32, #tpu.memory_space<vmem>>) offsets(%dma_start3A_53 : memref<128xi32, #tpu.memory_space<vmem>>) semaphore(%arg10 : memref<!tpu.dma_semaphore, #tpu.memory_space<semaphore_mem>>)
    %dma_start3A_57 = arith.constant 2 : i32
    %dma_start3A_58 = arith.constant 256 : i32
    %dma_start3A_59 = arith.constant 0 : i32
    %dma_start3A_60 = tpu.memref_slice %arg8[%dma_start3A_58, %dma_start3A_59] : memref<512x64xf32, #tpu.memory_space<vmem>> -> memref<128x64xf32, #tpu.memory_space<vmem>>
    %dma_start3A_61 = arith.constant 0 : i32
    %dma_start3A_62 = tpu.memref_slice %arg6[%dma_start3A_57, %dma_start3A_61] : memref<4x128xi32, #tpu.memory_space<vmem>> -> memref<1x128xi32, #tpu.memory_space<vmem>>
    %dma_start3A_63 = tpu.memref_squeeze %dma_start3A_62 : memref<1x128xi32, #tpu.memory_space<vmem>> -> memref<128xi32, #tpu.memory_space<vmem>>
    %dma_start3A_64 = arith.constant 0 : i32
    %dma_start3A_65 = arith.constant 0 : i32
    %dma_start3A_66 = tpu.memref_slice %arg4[%dma_start3A_64, %dma_start3A_65] : memref<1000000x64xf32, #tpu.memory_space<hbm>> -> memref<1000000x64xf32, #tpu.memory_space<hbm>>
    tpu.enqueue_indirect_dma source(%dma_start3A_66 : memref<1000000x64xf32, #tpu.memory_space<hbm>>) target(%dma_start3A_60 : memref<128x64xf32, #tpu.memory_space<vmem>>) offsets(%dma_start3A_63 : memref<128xi32, #tpu.memory_space<vmem>>) semaphore(%arg10 : memref<!tpu.dma_semaphore, #tpu.memory_space<semaphore_mem>>)
    %dma_start3A_67 = arith.constant 2 : i32
    %dma_start3A_68 = arith.constant 256 : i32
    %dma_start3A_69 = arith.constant 0 : i32
    %dma_start3A_70 = tpu.memref_slice %arg9[%dma_start3A_68, %dma_start3A_69] : memref<512x64xf32, #tpu.memory_space<vmem>> -> memref<128x64xf32, #tpu.memory_space<vmem>>
    %dma_start3A_71 = arith.constant 0 : i32
    %dma_start3A_72 = tpu.memref_slice %arg7[%dma_start3A_67, %dma_start3A_71] : memref<4x128xi32, #tpu.memory_space<vmem>> -> memref<1x128xi32, #tpu.memory_space<vmem>>
    %dma_start3A_73 = tpu.memref_squeeze %dma_start3A_72 : memref<1x128xi32, #tpu.memory_space<vmem>> -> memref<128xi32, #tpu.memory_space<vmem>>
    %dma_start3A_74 = arith.constant 0 : i32
    %dma_start3A_75 = arith.constant 0 : i32
    %dma_start3A_76 = tpu.memref_slice %arg4[%dma_start3A_74, %dma_start3A_75] : memref<1000000x64xf32, #tpu.memory_space<hbm>> -> memref<1000000x64xf32, #tpu.memory_space<hbm>>
    tpu.enqueue_indirect_dma source(%dma_start3A_76 : memref<1000000x64xf32, #tpu.memory_space<hbm>>) target(%dma_start3A_70 : memref<128x64xf32, #tpu.memory_space<vmem>>) offsets(%dma_start3A_73 : memref<128xi32, #tpu.memory_space<vmem>>) semaphore(%arg10 : memref<!tpu.dma_semaphore, #tpu.memory_space<semaphore_mem>>)
    %dma_start3A_77 = arith.constant 3 : i32
    %dma_start3A_78 = arith.constant 384 : i32
    %dma_start3A_79 = arith.constant 0 : i32
    %dma_start3A_80 = tpu.memref_slice %arg8[%dma_start3A_78, %dma_start3A_79] : memref<512x64xf32, #tpu.memory_space<vmem>> -> memref<128x64xf32, #tpu.memory_space<vmem>>
    %dma_start3A_81 = arith.constant 0 : i32
    %dma_start3A_82 = tpu.memref_slice %arg6[%dma_start3A_77, %dma_start3A_81] : memref<4x128xi32, #tpu.memory_space<vmem>> -> memref<1x128xi32, #tpu.memory_space<vmem>>
    %dma_start3A_83 = tpu.memref_squeeze %dma_start3A_82 : memref<1x128xi32, #tpu.memory_space<vmem>> -> memref<128xi32, #tpu.memory_space<vmem>>
    %dma_start3A_84 = arith.constant 0 : i32
    %dma_start3A_85 = arith.constant 0 : i32
    %dma_start3A_86 = tpu.memref_slice %arg4[%dma_start3A_84, %dma_start3A_85] : memref<1000000x64xf32, #tpu.memory_space<hbm>> -> memref<1000000x64xf32, #tpu.memory_space<hbm>>
    tpu.enqueue_indirect_dma source(%dma_start3A_86 : memref<1000000x64xf32, #tpu.memory_space<hbm>>) target(%dma_start3A_80 : memref<128x64xf32, #tpu.memory_space<vmem>>) offsets(%dma_start3A_83 : memref<128xi32, #tpu.memory_space<vmem>>) semaphore(%arg10 : memref<!tpu.dma_semaphore, #tpu.memory_space<semaphore_mem>>)
    %dma_start3A_87 = arith.constant 3 : i32
    %dma_start3A_88 = arith.constant 384 : i32
    %dma_start3A_89 = arith.constant 0 : i32
    %dma_start3A_90 = tpu.memref_slice %arg9[%dma_start3A_88, %dma_start3A_89] : memref<512x64xf32, #tpu.memory_space<vmem>> -> memref<128x64xf32, #tpu.memory_space<vmem>>
    %dma_start3A_91 = arith.constant 0 : i32
    %dma_start3A_92 = tpu.memref_slice %arg7[%dma_start3A_87, %dma_start3A_91] : memref<4x128xi32, #tpu.memory_space<vmem>> -> memref<1x128xi32, #tpu.memory_space<vmem>>
    %dma_start3A_93 = tpu.memref_squeeze %dma_start3A_92 : memref<1x128xi32, #tpu.memory_space<vmem>> -> memref<128xi32, #tpu.memory_space<vmem>>
    %dma_start3A_94 = arith.constant 0 : i32
    %dma_start3A_95 = arith.constant 0 : i32
    %dma_start3A_96 = tpu.memref_slice %arg4[%dma_start3A_94, %dma_start3A_95] : memref<1000000x64xf32, #tpu.memory_space<hbm>> -> memref<1000000x64xf32, #tpu.memory_space<hbm>>
    tpu.enqueue_indirect_dma source(%dma_start3A_96 : memref<1000000x64xf32, #tpu.memory_space<hbm>>) target(%dma_start3A_90 : memref<128x64xf32, #tpu.memory_space<vmem>>) offsets(%dma_start3A_93 : memref<128xi32, #tpu.memory_space<vmem>>) semaphore(%arg10 : memref<!tpu.dma_semaphore, #tpu.memory_space<semaphore_mem>>)
    %dma_wait3A = arith.constant 0 : i32
    %dma_wait3A_97 = arith.constant 0 : i32
    %dma_wait3A_98 = arith.constant 0 : i32
    %dma_wait3A_99 = tpu.memref_slice %arg8[%dma_wait3A_97, %dma_wait3A_98] : memref<512x64xf32, #tpu.memory_space<vmem>> -> memref<128x64xf32, #tpu.memory_space<vmem>>
    %dma_wait3A_100 = arith.constant 0 : i32
    %dma_wait3A_101 = tpu.memref_slice %arg6[%dma_wait3A, %dma_wait3A_100] : memref<4x128xi32, #tpu.memory_space<vmem>> -> memref<1x128xi32, #tpu.memory_space<vmem>>
    %dma_wait3A_102 = tpu.memref_squeeze %dma_wait3A_101 : memref<1x128xi32, #tpu.memory_space<vmem>> -> memref<128xi32, #tpu.memory_space<vmem>>
    %dma_wait3A_103 = arith.constant 0 : i32
    %dma_wait3A_104 = arith.constant 0 : i32
    %dma_wait3A_105 = tpu.memref_slice %arg4[%dma_wait3A_103, %dma_wait3A_104] : memref<1000000x64xf32, #tpu.memory_space<hbm>> -> memref<1000000x64xf32, #tpu.memory_space<hbm>>
    tpu.wait_indirect_dma semaphore(%arg10 : memref<!tpu.dma_semaphore, #tpu.memory_space<semaphore_mem>>) src(%dma_wait3A_105 : memref<1000000x64xf32, #tpu.memory_space<hbm>>) dst(%dma_wait3A_99 : memref<128x64xf32, #tpu.memory_space<vmem>>)
    %dma_wait3A_106 = arith.constant 0 : i32
    %dma_wait3A_107 = arith.constant 0 : i32
    %dma_wait3A_108 = arith.constant 0 : i32
    %dma_wait3A_109 = tpu.memref_slice %arg9[%dma_wait3A_107, %dma_wait3A_108] : memref<512x64xf32, #tpu.memory_space<vmem>> -> memref<128x64xf32, #tpu.memory_space<vmem>>
    %dma_wait3A_110 = arith.constant 0 : i32
    %dma_wait3A_111 = tpu.memref_slice %arg7[%dma_wait3A_106, %dma_wait3A_110] : memref<4x128xi32, #tpu.memory_space<vmem>> -> memref<1x128xi32, #tpu.memory_space<vmem>>
    %dma_wait3A_112 = tpu.memref_squeeze %dma_wait3A_111 : memref<1x128xi32, #tpu.memory_space<vmem>> -> memref<128xi32, #tpu.memory_space<vmem>>
    %dma_wait3A_113 = arith.constant 0 : i32
    %dma_wait3A_114 = arith.constant 0 : i32
    %dma_wait3A_115 = tpu.memref_slice %arg4[%dma_wait3A_113, %dma_wait3A_114] : memref<1000000x64xf32, #tpu.memory_space<hbm>> -> memref<1000000x64xf32, #tpu.memory_space<hbm>>
    tpu.wait_indirect_dma semaphore(%arg10 : memref<!tpu.dma_semaphore, #tpu.memory_space<semaphore_mem>>) src(%dma_wait3A_115 : memref<1000000x64xf32, #tpu.memory_space<hbm>>) dst(%dma_wait3A_109 : memref<128x64xf32, #tpu.memory_space<vmem>>)
    %dma_wait3A_116 = arith.constant 1 : i32
    %dma_wait3A_117 = arith.constant 128 : i32
    %dma_wait3A_118 = arith.constant 0 : i32
    %dma_wait3A_119 = tpu.memref_slice %arg8[%dma_wait3A_117, %dma_wait3A_118] : memref<512x64xf32, #tpu.memory_space<vmem>> -> memref<128x64xf32, #tpu.memory_space<vmem>>
    %dma_wait3A_120 = arith.constant 0 : i32
    %dma_wait3A_121 = tpu.memref_slice %arg6[%dma_wait3A_116, %dma_wait3A_120] : memref<4x128xi32, #tpu.memory_space<vmem>> -> memref<1x128xi32, #tpu.memory_space<vmem>>
    %dma_wait3A_122 = tpu.memref_squeeze %dma_wait3A_121 : memref<1x128xi32, #tpu.memory_space<vmem>> -> memref<128xi32, #tpu.memory_space<vmem>>
    %dma_wait3A_123 = arith.constant 0 : i32
    %dma_wait3A_124 = arith.constant 0 : i32
    %dma_wait3A_125 = tpu.memref_slice %arg4[%dma_wait3A_123, %dma_wait3A_124] : memref<1000000x64xf32, #tpu.memory_space<hbm>> -> memref<1000000x64xf32, #tpu.memory_space<hbm>>
    tpu.wait_indirect_dma semaphore(%arg10 : memref<!tpu.dma_semaphore, #tpu.memory_space<semaphore_mem>>) src(%dma_wait3A_125 : memref<1000000x64xf32, #tpu.memory_space<hbm>>) dst(%dma_wait3A_119 : memref<128x64xf32, #tpu.memory_space<vmem>>)
    %dma_wait3A_126 = arith.constant 1 : i32
    %dma_wait3A_127 = arith.constant 128 : i32
    %dma_wait3A_128 = arith.constant 0 : i32
    %dma_wait3A_129 = tpu.memref_slice %arg9[%dma_wait3A_127, %dma_wait3A_128] : memref<512x64xf32, #tpu.memory_space<vmem>> -> memref<128x64xf32, #tpu.memory_space<vmem>>
    %dma_wait3A_130 = arith.constant 0 : i32
    %dma_wait3A_131 = tpu.memref_slice %arg7[%dma_wait3A_126, %dma_wait3A_130] : memref<4x128xi32, #tpu.memory_space<vmem>> -> memref<1x128xi32, #tpu.memory_space<vmem>>
    %dma_wait3A_132 = tpu.memref_squeeze %dma_wait3A_131 : memref<1x128xi32, #tpu.memory_space<vmem>> -> memref<128xi32, #tpu.memory_space<vmem>>
    %dma_wait3A_133 = arith.constant 0 : i32
    %dma_wait3A_134 = arith.constant 0 : i32
    %dma_wait3A_135 = tpu.memref_slice %arg4[%dma_wait3A_133, %dma_wait3A_134] : memref<1000000x64xf32, #tpu.memory_space<hbm>> -> memref<1000000x64xf32, #tpu.memory_space<hbm>>
    tpu.wait_indirect_dma semaphore(%arg10 : memref<!tpu.dma_semaphore, #tpu.memory_space<semaphore_mem>>) src(%dma_wait3A_135 : memref<1000000x64xf32, #tpu.memory_space<hbm>>) dst(%dma_wait3A_129 : memref<128x64xf32, #tpu.memory_space<vmem>>)
    %dma_wait3A_136 = arith.constant 2 : i32
    %dma_wait3A_137 = arith.constant 256 : i32
    %dma_wait3A_138 = arith.constant 0 : i32
    %dma_wait3A_139 = tpu.memref_slice %arg8[%dma_wait3A_137, %dma_wait3A_138] : memref<512x64xf32, #tpu.memory_space<vmem>> -> memref<128x64xf32, #tpu.memory_space<vmem>>
    %dma_wait3A_140 = arith.constant 0 : i32
    %dma_wait3A_141 = tpu.memref_slice %arg6[%dma_wait3A_136, %dma_wait3A_140] : memref<4x128xi32, #tpu.memory_space<vmem>> -> memref<1x128xi32, #tpu.memory_space<vmem>>
    %dma_wait3A_142 = tpu.memref_squeeze %dma_wait3A_141 : memref<1x128xi32, #tpu.memory_space<vmem>> -> memref<128xi32, #tpu.memory_space<vmem>>
    %dma_wait3A_143 = arith.constant 0 : i32
    %dma_wait3A_144 = arith.constant 0 : i32
    %dma_wait3A_145 = tpu.memref_slice %arg4[%dma_wait3A_143, %dma_wait3A_144] : memref<1000000x64xf32, #tpu.memory_space<hbm>> -> memref<1000000x64xf32, #tpu.memory_space<hbm>>
    tpu.wait_indirect_dma semaphore(%arg10 : memref<!tpu.dma_semaphore, #tpu.memory_space<semaphore_mem>>) src(%dma_wait3A_145 : memref<1000000x64xf32, #tpu.memory_space<hbm>>) dst(%dma_wait3A_139 : memref<128x64xf32, #tpu.memory_space<vmem>>)
    %dma_wait3A_146 = arith.constant 2 : i32
    %dma_wait3A_147 = arith.constant 256 : i32
    %dma_wait3A_148 = arith.constant 0 : i32
    %dma_wait3A_149 = tpu.memref_slice %arg9[%dma_wait3A_147, %dma_wait3A_148] : memref<512x64xf32, #tpu.memory_space<vmem>> -> memref<128x64xf32, #tpu.memory_space<vmem>>
    %dma_wait3A_150 = arith.constant 0 : i32
    %dma_wait3A_151 = tpu.memref_slice %arg7[%dma_wait3A_146, %dma_wait3A_150] : memref<4x128xi32, #tpu.memory_space<vmem>> -> memref<1x128xi32, #tpu.memory_space<vmem>>
    %dma_wait3A_152 = tpu.memref_squeeze %dma_wait3A_151 : memref<1x128xi32, #tpu.memory_space<vmem>> -> memref<128xi32, #tpu.memory_space<vmem>>
    %dma_wait3A_153 = arith.constant 0 : i32
    %dma_wait3A_154 = arith.constant 0 : i32
    %dma_wait3A_155 = tpu.memref_slice %arg4[%dma_wait3A_153, %dma_wait3A_154] : memref<1000000x64xf32, #tpu.memory_space<hbm>> -> memref<1000000x64xf32, #tpu.memory_space<hbm>>
    tpu.wait_indirect_dma semaphore(%arg10 : memref<!tpu.dma_semaphore, #tpu.memory_space<semaphore_mem>>) src(%dma_wait3A_155 : memref<1000000x64xf32, #tpu.memory_space<hbm>>) dst(%dma_wait3A_149 : memref<128x64xf32, #tpu.memory_space<vmem>>)
    %dma_wait3A_156 = arith.constant 3 : i32
    %dma_wait3A_157 = arith.constant 384 : i32
    %dma_wait3A_158 = arith.constant 0 : i32
    %dma_wait3A_159 = tpu.memref_slice %arg8[%dma_wait3A_157, %dma_wait3A_158] : memref<512x64xf32, #tpu.memory_space<vmem>> -> memref<128x64xf32, #tpu.memory_space<vmem>>
    %dma_wait3A_160 = arith.constant 0 : i32
    %dma_wait3A_161 = tpu.memref_slice %arg6[%dma_wait3A_156, %dma_wait3A_160] : memref<4x128xi32, #tpu.memory_space<vmem>> -> memref<1x128xi32, #tpu.memory_space<vmem>>
    %dma_wait3A_162 = tpu.memref_squeeze %dma_wait3A_161 : memref<1x128xi32, #tpu.memory_space<vmem>> -> memref<128xi32, #tpu.memory_space<vmem>>
    %dma_wait3A_163 = arith.constant 0 : i32
    %dma_wait3A_164 = arith.constant 0 : i32
    %dma_wait3A_165 = tpu.memref_slice %arg4[%dma_wait3A_163, %dma_wait3A_164] : memref<1000000x64xf32, #tpu.memory_space<hbm>> -> memref<1000000x64xf32, #tpu.memory_space<hbm>>
    tpu.wait_indirect_dma semaphore(%arg10 : memref<!tpu.dma_semaphore, #tpu.memory_space<semaphore_mem>>) src(%dma_wait3A_165 : memref<1000000x64xf32, #tpu.memory_space<hbm>>) dst(%dma_wait3A_159 : memref<128x64xf32, #tpu.memory_space<vmem>>)
    %dma_wait3A_166 = arith.constant 3 : i32
    %dma_wait3A_167 = arith.constant 384 : i32
    %dma_wait3A_168 = arith.constant 0 : i32
    %dma_wait3A_169 = tpu.memref_slice %arg9[%dma_wait3A_167, %dma_wait3A_168] : memref<512x64xf32, #tpu.memory_space<vmem>> -> memref<128x64xf32, #tpu.memory_space<vmem>>
    %dma_wait3A_170 = arith.constant 0 : i32
    %dma_wait3A_171 = tpu.memref_slice %arg7[%dma_wait3A_166, %dma_wait3A_170] : memref<4x128xi32, #tpu.memory_space<vmem>> -> memref<1x128xi32, #tpu.memory_space<vmem>>
    %dma_wait3A_172 = tpu.memref_squeeze %dma_wait3A_171 : memref<1x128xi32, #tpu.memory_space<vmem>> -> memref<128xi32, #tpu.memory_space<vmem>>
    %dma_wait3A_173 = arith.constant 0 : i32
    %dma_wait3A_174 = arith.constant 0 : i32
    %dma_wait3A_175 = tpu.memref_slice %arg4[%dma_wait3A_173, %dma_wait3A_174] : memref<1000000x64xf32, #tpu.memory_space<hbm>> -> memref<1000000x64xf32, #tpu.memory_space<hbm>>
    tpu.wait_indirect_dma semaphore(%arg10 : memref<!tpu.dma_semaphore, #tpu.memory_space<semaphore_mem>>) src(%dma_wait3A_175 : memref<1000000x64xf32, #tpu.memory_space<hbm>>) dst(%dma_wait3A_169 : memref<128x64xf32, #tpu.memory_space<vmem>>)
    %scan3A = arith.constant 0 : i32
    %scan3A_176 = arith.constant 0 : i32
    %scan3A_177 = arith.constant 512 : i32
    %scan3A_178 = arith.addi %scan3A_176, %scan3A_177 : i32
    %scan3A_179 = arith.constant 1 : i32
    scf.for %scan3A_181 = %scan3A_176 to %scan3A_178 step %scan3A_179  : i32 {
      %get3A = arith.index_cast %scan3A_181 : i32 to index
      %get3A_182 = arith.constant 0 : index
      %get3A_183 = tpu.vector_load %arg8[%get3A, %get3A_182] {strides = array<i32>} : memref<512x64xf32, #tpu.memory_space<vmem>>, vector<1x16xf32>,
      %get3A_184 = vector.shape_cast %get3A_183 : vector<1x16xf32> to vector<16xf32>
      %get3A_185 = arith.index_cast %scan3A_181 : i32 to index
      %get3A_186 = arith.constant 0 : index
      %get3A_187 = tpu.vector_load %arg9[%get3A_185, %get3A_186] {strides = array<i32>} : memref<512x64xf32, #tpu.memory_space<vmem>>, vector<1x16xf32>,
      %get3A_188 = vector.shape_cast %get3A_187 : vector<1x16xf32> to vector<16xf32>
      %mul3A_189 = arith.mulf %get3A_184, %get3A_188 : vector<16xf32>
      %swap3A = arith.index_cast %scan3A_181 : i32 to index
      %swap3A_190 = arith.constant 0 : index
      %swap3A_191 = tpu.vector_load %arg8[%swap3A, %swap3A_190] {strides = array<i32>} : memref<512x64xf32, #tpu.memory_space<vmem>>, vector<1x16xf32>,
      %swap3A_192 = vector.shape_cast %swap3A_191 : vector<1x16xf32> to vector<16xf32>
      %swap3A_193 = vector.shape_cast %mul3A_189 : vector<16xf32> to vector<1x16xf32>
      tpu.vector_store %arg8[%swap3A, %swap3A_190], %swap3A_193 {strides = array<i32>} : memref<512x64xf32, #tpu.memory_space<vmem>>, vector<1x16xf32>,
      %get3A_194 = arith.index_cast %scan3A_181 : i32 to index
      %get3A_195 = arith.constant 16 : index
      %get3A_196 = tpu.vector_load %arg8[%get3A_194, %get3A_195] {strides = array<i32>} : memref<512x64xf32, #tpu.memory_space<vmem>>, vector<1x16xf32>,
      %get3A_197 = vector.shape_cast %get3A_196 : vector<1x16xf32> to vector<16xf32>
      %get3A_198 = arith.index_cast %scan3A_181 : i32 to index
      %get3A_199 = arith.constant 16 : index
      %get3A_200 = tpu.vector_load %arg9[%get3A_198, %get3A_199] {strides = array<i32>} : memref<512x64xf32, #tpu.memory_space<vmem>>, vector<1x16xf32>,
      %get3A_201 = vector.shape_cast %get3A_200 : vector<1x16xf32> to vector<16xf32>
      %mul3A_202 = arith.mulf %get3A_197, %get3A_201 : vector<16xf32>
      %swap3A_203 = arith.index_cast %scan3A_181 : i32 to index
      %swap3A_204 = arith.constant 16 : index
      %swap3A_205 = tpu.vector_load %arg8[%swap3A_203, %swap3A_204] {strides = array<i32>} : memref<512x64xf32, #tpu.memory_space<vmem>>, vector<1x16xf32>,
      %swap3A_206 = vector.shape_cast %swap3A_205 : vector<1x16xf32> to vector<16xf32>
      %swap3A_207 = vector.shape_cast %mul3A_202 : vector<16xf32> to vector<1x16xf32>
      tpu.vector_store %arg8[%swap3A_203, %swap3A_204], %swap3A_207 {strides = array<i32>} : memref<512x64xf32, #tpu.memory_space<vmem>>, vector<1x16xf32>,
      %get3A_208 = arith.index_cast %scan3A_181 : i32 to index
      %get3A_209 = arith.constant 32 : index
      %get3A_210 = tpu.vector_load %arg8[%get3A_208, %get3A_209] {strides = array<i32>} : memref<512x64xf32, #tpu.memory_space<vmem>>, vector<1x16xf32>,
      %get3A_211 = vector.shape_cast %get3A_210 : vector<1x16xf32> to vector<16xf32>
      %get3A_212 = arith.index_cast %scan3A_181 : i32 to index
      %get3A_213 = arith.constant 32 : index
      %get3A_214 = tpu.vector_load %arg9[%get3A_212, %get3A_213] {strides = array<i32>} : memref<512x64xf32, #tpu.memory_space<vmem>>, vector<1x16xf32>,
      %get3A_215 = vector.shape_cast %get3A_214 : vector<1x16xf32> to vector<16xf32>
      %mul3A_216 = arith.mulf %get3A_211, %get3A_215 : vector<16xf32>
      %swap3A_217 = arith.index_cast %scan3A_181 : i32 to index
      %swap3A_218 = arith.constant 32 : index
      %swap3A_219 = tpu.vector_load %arg8[%swap3A_217, %swap3A_218] {strides = array<i32>} : memref<512x64xf32, #tpu.memory_space<vmem>>, vector<1x16xf32>,
      %swap3A_220 = vector.shape_cast %swap3A_219 : vector<1x16xf32> to vector<16xf32>
      %swap3A_221 = vector.shape_cast %mul3A_216 : vector<16xf32> to vector<1x16xf32>
      tpu.vector_store %arg8[%swap3A_217, %swap3A_218], %swap3A_221 {strides = array<i32>} : memref<512x64xf32, #tpu.memory_space<vmem>>, vector<1x16xf32>,
      %get3A_222 = arith.index_cast %scan3A_181 : i32 to index
      %get3A_223 = arith.constant 48 : index
      %get3A_224 = tpu.vector_load %arg8[%get3A_222, %get3A_223] {strides = array<i32>} : memref<512x64xf32, #tpu.memory_space<vmem>>, vector<1x16xf32>,
      %get3A_225 = vector.shape_cast %get3A_224 : vector<1x16xf32> to vector<16xf32>
      %get3A_226 = arith.index_cast %scan3A_181 : i32 to index
      %get3A_227 = arith.constant 48 : index
      %get3A_228 = tpu.vector_load %arg9[%get3A_226, %get3A_227] {strides = array<i32>} : memref<512x64xf32, #tpu.memory_space<vmem>>, vector<1x16xf32>,
      %get3A_229 = vector.shape_cast %get3A_228 : vector<1x16xf32> to vector<16xf32>
      %mul3A_230 = arith.mulf %get3A_225, %get3A_229 : vector<16xf32>
      %swap3A_231 = arith.index_cast %scan3A_181 : i32 to index
      %swap3A_232 = arith.constant 48 : index
      %swap3A_233 = tpu.vector_load %arg8[%swap3A_231, %swap3A_232] {strides = array<i32>} : memref<512x64xf32, #tpu.memory_space<vmem>>, vector<1x16xf32>,
      %swap3A_234 = vector.shape_cast %swap3A_233 : vector<1x16xf32> to vector<16xf32>
      %swap3A_235 = vector.shape_cast %mul3A_230 : vector<16xf32> to vector<1x16xf32>
      tpu.vector_store %arg8[%swap3A_231, %swap3A_232], %swap3A_235 {strides = array<i32>} : memref<512x64xf32, #tpu.memory_space<vmem>>, vector<1x16xf32>,
    }
    %scan3A_180 = arith.constant 512 : i32
    "tpu.region"() ({
      %run_scoped3A_181 = tpu.sem_alloc : memref<!tpu.dma_semaphore, #tpu.memory_space<semaphore_mem>>
      %dma_start3A_182 = arith.constant 0 : i32
      %dma_start3A_183 = tpu.memref_slice %arg5[%mul3A_2, %dma_start3A_182] : memref<16384x64xf32, #tpu.memory_space<hbm>> -> memref<512x64xf32, #tpu.memory_space<hbm>>
      %dma_start3A_184 = arith.constant 0 : i32
      %dma_start3A_185 = tpu.memref_slice %arg5[%mul3A_2, %dma_start3A_184] : memref<16384x64xf32, #tpu.memory_space<hbm>> -> memref<512x64xf32, #tpu.memory_space<hbm>>
      tpu.enqueue_dma source(%arg8 : memref<512x64xf32, #tpu.memory_space<vmem>>) target(%dma_start3A_185 : memref<512x64xf32, #tpu.memory_space<hbm>>) target_semaphore(%run_scoped3A_181 : memref<!tpu.dma_semaphore, #tpu.memory_space<semaphore_mem>>)
      %dma_wait3A_186 = arith.constant 0 : i32
      %dma_wait3A_187 = tpu.memref_slice %arg5[%mul3A_2, %dma_wait3A_186] : memref<16384x64xf32, #tpu.memory_space<hbm>> -> memref<512x64xf32, #tpu.memory_space<hbm>>
      %dma_wait3A_188 = arith.constant 0 : i32
      %dma_wait3A_189 = tpu.memref_slice %arg5[%mul3A_2, %dma_wait3A_188] : memref<16384x64xf32, #tpu.memory_space<hbm>> -> memref<512x64xf32, #tpu.memory_space<hbm>>
      tpu.wait_dma2 semaphore(%run_scoped3A_181 : memref<!tpu.dma_semaphore, #tpu.memory_space<semaphore_mem>>) src(%arg8 : memref<512x64xf32, #tpu.memory_space<vmem>>) dst(%dma_wait3A_189 : memref<512x64xf32, #tpu.memory_space<hbm>>)
      tpu.yield
    }) : () -> ()
    return
  }
}

module attributes {stable_mosaic.version = 14 : i64} {
  func.func @mlp_kernel(%arg0: i32, %arg1: memref<2048x64xf32, #tpu.memory_space<vmem>>, %arg2: memref<64x32xf32, #tpu.memory_space<vmem>>, %arg3: memref<1x32xf32, #tpu.memory_space<vmem>>, %arg4: memref<1x32xf32, #tpu.memory_space<vmem>>, %arg5: memref<1x1xf32, #tpu.memory_space<vmem>>, %arg6: memref<2048x1xf32, #tpu.memory_space<vmem>>) attributes {dimension_semantics = [#tpu.dimension_semantics<arbitrary>], iteration_bounds = array<i64: 8>, scalar_prefetch = 0 : i64, scratch_operands = 0 : i64, tpu.core_type = #tpu.core_type<tc>, window_params = [{transform_indices = @transform_0, window_bounds = array<i64: 2048, 64>}, {pipeline_mode = #tpu.pipeline_mode<synchronous>, transform_indices = @transform_1, window_bounds = array<i64: 64, 32>}, {pipeline_mode = #tpu.pipeline_mode<synchronous>, transform_indices = @transform_2, window_bounds = array<i64: 1, 32>}, {pipeline_mode = #tpu.pipeline_mode<synchronous>, transform_indices = @transform_3, window_bounds = array<i64: 1, 32>}, {pipeline_mode = #tpu.pipeline_mode<synchronous>, transform_indices = @transform_4, window_bounds = array<i64: 1, 1>}, {transform_indices = @transform_5, window_bounds = array<i64: 2048, 1>}]} {
    %get3A = arith.constant 0 : index
    %get3A_0 = arith.constant 0 : index
    %get3A_1 = vector.load %arg1[%get3A, %get3A_0] : memref<2048x64xf32, #tpu.memory_space<vmem>>, vector<2048x64xf32>
    %get3A_2 = arith.constant 0 : index
    %get3A_3 = arith.constant 0 : index
    %get3A_4 = vector.load %arg2[%get3A_2, %get3A_3] : memref<64x32xf32, #tpu.memory_space<vmem>>, vector<64x32xf32>
    %dot_general3A = arith.constant dense<0.000000e+00> : vector<2048x32xf32>
    %dot_general3A_5 = tpu.matmul %get3A_1, %get3A_4, %dot_general3A {dimension_numbers = #tpu.dot_dimension_numbers<[1], [0], [0], [1], [0, 0, 1, 1], [], []>, transpose_lhs_hint = false} : vector<2048x64xf32>, vector<64x32xf32>, vector<2048x32xf32> -> vector<2048x32xf32>
    %get3A_6 = arith.constant 0 : index
    %get3A_7 = arith.constant 0 : index
    %get3A_8 = vector.load %arg3[%get3A_6, %get3A_7] : memref<1x32xf32, #tpu.memory_space<vmem>>, vector<1x32xf32>
    %add3A = vector.broadcast %get3A_8 : vector<1x32xf32> to vector<2048x32xf32>
    %add3A_9 = arith.addf %dot_general3A_5, %add3A : vector<2048x32xf32>
    %max3A = arith.constant 0.000000e+00 : f32
    %max3A_10 = vector.broadcast %max3A : f32 to vector<2048x32xf32>
    %max3A_11 = arith.maximumf %add3A_9, %max3A_10 : vector<2048x32xf32>
    %get3A_12 = arith.constant 0 : index
    %get3A_13 = arith.constant 0 : index
    %get3A_14 = vector.load %arg4[%get3A_12, %get3A_13] : memref<1x32xf32, #tpu.memory_space<vmem>>, vector<1x32xf32>
    %mul3A = vector.broadcast %get3A_14 : vector<1x32xf32> to vector<2048x32xf32>
    %mul3A_15 = arith.mulf %max3A_11, %mul3A : vector<2048x32xf32>
    %reduce_sum3A = arith.constant dense<0.000000e+00> : vector<2048xf32>
    %reduce_sum3A_16 = vector.multi_reduction <add>, %mul3A_15, %reduce_sum3A [1] : vector<2048x32xf32> to vector<2048xf32>
    %broadcast_in_dim3A = vector.shape_cast %reduce_sum3A_16 : vector<2048xf32> to vector<2048x1xf32>
    %get3A_17 = arith.constant 0 : index
    %get3A_18 = arith.constant 0 : index
    %get3A_19 = vector.load %arg5[%get3A_17, %get3A_18] : memref<1x1xf32, #tpu.memory_space<vmem>>, vector<1x1xf32>
    %add3A_20 = vector.broadcast %get3A_19 : vector<1x1xf32> to vector<2048x1xf32>
    %add3A_21 = arith.addf %broadcast_in_dim3A, %add3A_20 : vector<2048x1xf32>
    %neg3A = arith.constant 0.000000e+00 : f32
    %neg3A_22 = vector.broadcast %neg3A : f32 to vector<2048x1xf32>
    %neg3A_23 = arith.subf %neg3A_22, %add3A_21 : vector<2048x1xf32>
    %exp3A = math.exp %neg3A_23 : vector<2048x1xf32>
    %add3A_24 = arith.constant 1.000000e+00 : f32
    %add3A_25 = vector.broadcast %add3A_24 : f32 to vector<2048x1xf32>
    %add3A_26 = arith.addf %add3A_25, %exp3A : vector<2048x1xf32>
    %div3A = arith.constant 1.000000e+00 : f32
    %div3A_27 = vector.broadcast %div3A : f32 to vector<2048x1xf32>
    %div3A_28 = arith.divf %div3A_27, %add3A_26 : vector<2048x1xf32>
    %swap3A = arith.constant 0 : index
    %swap3A_29 = arith.constant 0 : index
    %swap3A_30 = vector.load %arg6[%swap3A, %swap3A_29] : memref<2048x1xf32, #tpu.memory_space<vmem>>, vector<2048x1xf32>
    tpu.vector_store %arg6[%swap3A, %swap3A_29], %div3A_28 {strides = array<i32>} : memref<2048x1xf32, #tpu.memory_space<vmem>>, vector<2048x1xf32>,
    return
  }
  func.func @transform_0(%arg0: i32) -> (i32, i32) {
    %c0_i32 = arith.constant 0 : i32
    %c0_i32_0 = arith.constant 0 : i32
    return %arg0, %c0_i32 : i32, i32
  }
  func.func @transform_1(%arg0: i32) -> (i32, i32) {
    %c0_i32 = arith.constant 0 : i32
    %c0_i32_0 = arith.constant 0 : i32
    %c0_i32_1 = arith.constant 0 : i32
    return %c0_i32, %c0_i32_0 : i32, i32
  }
  func.func @transform_2(%arg0: i32) -> (i32, i32) {
    %c0_i32 = arith.constant 0 : i32
    %c0_i32_0 = arith.constant 0 : i32
    %c0_i32_1 = arith.constant 0 : i32
    return %c0_i32, %c0_i32_0 : i32, i32
  }
  func.func @transform_3(%arg0: i32) -> (i32, i32) {
    %c0_i32 = arith.constant 0 : i32
    %c0_i32_0 = arith.constant 0 : i32
    %c0_i32_1 = arith.constant 0 : i32
    return %c0_i32, %c0_i32_0 : i32, i32
  }
  func.func @transform_4(%arg0: i32) -> (i32, i32) {
    %c0_i32 = arith.constant 0 : i32
    %c0_i32_0 = arith.constant 0 : i32
    %c0_i32_1 = arith.constant 0 : i32
    return %c0_i32, %c0_i32_0 : i32, i32
  }
  func.func @transform_5(%arg0: i32) -> (i32, i32) {
    %c0_i32 = arith.constant 0 : i32
    %c0_i32_0 = arith.constant 0 : i32
    return %arg0, %c0_i32 : i32, i32
  }
}

</mosaic_0001>

<sc_bundles>
// kernel: kernel.4.cloned.1.call-start
scs
__scs_entry_jumppad:
0x0: {  	(pc) =	sbr.rel $0x88, $3  }
0x1: {  	(tag) =	ssettag $0x0;
	lr =	simm.s32 $0x1  }
0x2: {  	[smem:$0x3F9A] =	sst lr;
	_ =	strace $0xD0000000  }
0x3: {  	_ = 	snop  }
0x4: {  	_ = 	snop  }
0x5: {  	_ = 	snop  }
0x6: {  	_ = 	snop  }
0x7: {  	_ = 	snop  }
__scs_overlays_trampoline_lowered:
0x8: {  	[smem:$0x3FA9] =	sst s0  }
0x9: {  	[smem:$0x3FAA] =	sst s1  }
0xa: {  	[smem:$0x3FAB] =	sst s2  }
0xb: {  	[smem:$0x3FAC] =	sst s3  }
0xc: {  	[smem:$0x3FAD] =	sst s4  }
0xd: {  	[smem:$0x3FAE] =	sst s5  }
0xe: {  	[smem:$0x3FAF] =	sst s6  }
0xf: {  	[smem:$0x3FB0] =	sst s7  }
0x10: {  	[smem:$0x3FB1] =	sst s8  }
0x11: {  	[smem:$0x3FB2] =	sst s9;
	s0 =	simm.s32 @!p0 $0x0  }
0x12: {  	s1 =	sld [smem:$0x3F98];
	s0 =	simm.s32 @p0 $0x1  }
0x13: {  	[smem:$0x3FB3] =	sst s0;
	s0 =	simm.s32 @!p1 $0x0  }
0x14: {  	s2 =	sld [smem:$0x3F97];
	s0 =	simm.s32 @p1 $0x1  }
0x15: {  	[smem:$0x3FB4] =	sst s0;
	s0 =	simm.s32 @!p2 $0x0  }
0x16: {  	s3 =	sld [smem:$0x3FDB];
	s0 =	simm.s32 @p2 $0x1  }
0x17: {  	s4 =	simm.s32 $0x1BF5;
	[smem:$0x3FB6] =	sst s0  }
0x18: {  	s0 =	sld [smem:$0x3F99];
	_ =	swait.ge [sflag:s4], $0x0  }
0x19: {  	s7 =	sld [smem:$0x3F9A]  }
0x1a: {  	s8 =	sadd.s32 $0xFFFFE003, lr  }
0x1b: {  	s9 =	sadd.s32 $0xFFFFFEF7, lr;
	s5 =	simm.s32 $0xFFFFFFFF;
	p2 =	slt.u32 s8, $0xFFFFF086  }
0x1c: {  	p1 =	slt.u32 s9, $0xF7A;
	s5 =	simm.s32 @!p2 $0x0  }
0x1d: {  	s5 =	simm.s32 @p1 $0x1;
	p0 =	seq.s32 s7, s2  }
0x1e: {  	s7 =	smul.u32 @!p0 $0xF7A, s2;
	p2 =	seq.s32 @!p0 s5, $0x0  }
0x1f: {  	s9 =	smul.u32 $0xF7A, s1;
	s8 =	simm.s32 @!p0 $0x1BF5;
	p2 =	por !p2, p0  }
0x20: {  	[sflag:s8] =	ssyncset.s32 @!p0 $0xFFFFF086;
	s6 =	sadd.s32 @!p0 s3, s7;
	s7 =	simm.s32 @!p0 $0x108  }
0x21: {  	s3 =	sadd.s32 s3, s9;
	s6 =	sadd.s32 @!p0 $0x88, s6;
	s7 =	simm.s32 @p2 $0x1082  }
0x22: {  	[simem:s7], [sflag:s8] =	dma.local @!p0 [hbm:s6], $0xF7A  }
0x23: {  	s9 =	sor.u32 $0xD0000000, s2;
	s6 =	simm.s32 $0x108;
	_ =	swait.ge @!p0 [sflag:s8], $0x0  }
0x24: {  	s3 =	sadd.s32 $0x88, s3;
	s6 =	simm.s32 @!p1 $0x1082;
	[sflag:s4] =	ssyncset.s32 $0xFFFFF086  }
0x25: {  	[simem:s6], [sflag:s4] =	dma.local [hbm:s3], $0xF7A  }
0x26: {  	[smem:$0x3F9A] =	sst s1;
	(tag) =	ssettag s2;
	_ =	strace s9  }
0x27: {  	s1 =	sld [smem:$0x3FAA]  }
0x28: {  	s2 =	sld [smem:$0x3FAB]  }
0x29: {  	s4 =	sld [smem:$0x3FAD]  }
0x2a: {  	p0 =	seq.s32 s5, $0x0;
	s5 =	sld [smem:$0x3FAE]  }
0x2b: {  	s6 =	sld [smem:$0x3FAF]  }
0x2c: {  	s7 =	sld [smem:$0x3FB0]  }
0x2d: {  	s3 =	simm.s32 $0x108;
	s8 =	sld [smem:$0x3FB1]  }
0x2e: {  	s3 =	simm.s32 @!p0 $0x1082;
	s9 =	sld [smem:$0x3FB2]  }
0x2f: {  	lr =	sadd.s32 s0, s3;
	s0 =	sld [smem:$0x3FA9]  }
0x30: {  	s3 =	sld [smem:$0x3FAC]  }
0x31: {  	[smem:$0x3FB5] =	sst s10  }
0x32: {  	s10 =	sld [smem:$0x3FB3];
	_ =	sdelay $0x3  }
0x33: {  	p0 =	seq.s32 s10, $0x1;
	s10 =	sld [smem:$0x3FB5];
	_ =	sdelay $0x3  }
0x34: {  	[smem:$0x3FB5] =	sst s10  }
0x35: {  	s10 =	sld [smem:$0x3FB4];
	_ =	sdelay $0x3  }
0x36: {  	p1 =	seq.s32 s10, $0x1;
	s10 =	sld [smem:$0x3FB5];
	_ =	sdelay $0x3  }
0x37: {  	[smem:$0x3FB5] =	sst s10  }
0x38: {  	s10 =	sld [smem:$0x3FB6]  }
0x39: {  	_ = 	snop;
	(pc) =	sbr.ind lr, $3  }
0x3a: {  	_ = 	snop  }
0x3b: {  	_ = 	snop  }
0x3c: {  	p2 =	seq.s32 s10, $0x1;
	s10 =	sld [smem:$0x3FB5]  }
0x3d: {  	_ =	shalt  }
0x3e: {  	_ =	shalt  }
0x3f: {  	_ =	shalt  }
0x40: {  	_ =	shalt  }
0x41: {  	_ =	shalt  }
0x42: {  	_ =	shalt  }
0x43: {  	_ =	shalt  }
0x44: {  	_ =	shalt  }
0x45: {  	_ =	shalt  }
0x46: {  	_ =	shalt  }
0x47: {  	_ =	shalt  }
0x48: {  	_ =	shalt  }
0x49: {  	_ =	shalt  }
0x4a: {  	_ =	shalt  }
0x4b: {  	_ =	shalt  }
0x4c: {  	_ =	shalt  }
0x4d: {  	_ =	shalt  }
0x4e: {  	_ =	shalt  }
0x4f: {  	_ =	shalt  }
0x50: {  	_ =	shalt  }
0x51: {  	_ =	shalt  }
0x52: {  	_ =	shalt  }
0x53: {  	_ =	shalt  }
0x54: {  	_ =	shalt  }
0x55: {  	_ =	shalt  }
0x56: {  	_ =	shalt  }
0x57: {  	_ =	shalt  }
0x58: {  	_ =	shalt  }
0x59: {  	_ =	shalt  }
0x5a: {  	_ =	shalt  }
0x5b: {  	_ =	shalt  }
0x5c: {  	_ =	shalt  }
0x5d: {  	_ =	shalt  }
0x5e: {  	_ =	shalt  }
0x5f: {  	_ =	shalt  }
0x60: {  	_ =	shalt  }
0x61: {  	_ =	shalt  }
0x62: {  	_ =	shalt  }
0x63: {  	_ =	shalt  }
0x64: {  	_ =	shalt  }
0x65: {  	_ =	shalt  }
0x66: {  	_ =	shalt  }
0x67: {  	_ =	shalt  }
0x68: {  	_ =	shalt  }
0x69: {  	_ =	shalt  }
0x6a: {  	_ =	shalt  }
0x6b: {  	_ =	shalt  }
0x6c: {  	_ =	shalt  }
0x6d: {  	_ =	shalt  }
0x6e: {  	_ =	shalt  }
0x6f: {  	_ =	shalt  }
0x70: {  	_ =	shalt  }
0x71: {  	_ =	shalt  }
0x72: {  	_ =	shalt  }
0x73: {  	_ =	shalt  }
0x74: {  	_ =	shalt  }
0x75: {  	_ =	shalt  }
0x76: {  	_ =	shalt  }
0x77: {  	_ =	shalt  }
0x78: {  	_ =	shalt  }
0x79: {  	_ =	shalt  }
0x7a: {  	_ =	shalt  }
0x7b: {  	_ =	shalt  }
0x7c: {  	_ =	shalt  }
0x7d: {  	_ =	shalt  }
0x7e: {  	_ =	shalt  }
0x7f: {  	_ =	shalt  }
0x80: {  	_ =	shalt  }
0x81: {  	_ =	shalt  }
0x82: {  	_ =	shalt  }
0x83: {  	_ =	shalt  }
0x84: {  	_ =	shalt  }
0x85: {  	_ =	shalt  }
0x86: {  	_ =	shalt  }
0x87: {  	_ =	shalt  }
.Lfunc_end0:
.L_simem_size_0:
called_computation_lowered:
.L_overlay_start_0:
0x88: {  	s2 =	sld [smem:$0x3FD9]  }
0x89: {  	s3 =	sld [smem:$0x3FFE];
	_ =	sdelay $0x1  }
0x8a: {  	s1 =	srdreg.scid  }
0x8b: {  	s0 =	sand.u32 $0x1, s1  }
0x8c: {  	s17 =	sshll.u32 s0, $0xA;
	s2 =	sadd.s32 s3, s2  }
0x8d: {  	s2 =	sadd.s32 s2, s17  }
0x8e: {  	[smem:$0x3FC1] =	sst s2  }
0x8f: {  	_ = 	snop  }
0x90: {  	s2 =	sld [smem:$0x3FC9]  }
0x91: {  	s18 =	sld [smem:$0x3FC8];
	(tm) =	ssettm $0x1  }
0x92: {  	s4 =	sld [smem:$0x3FFB];
	_ =	sdelay $0x3  }
0x93: {  	_ =	strace s4  }
0x94: {  	s4 =	sld [smem:$0x3FFC];
	_ =	sdelay $0x3  }
0x95: {  	_ =	strace s4  }
0x96: {  	s4 =	sld [smem:$0x3FFD];
	_ =	sdelay $0x3  }
0x97: {  	_ =	strace s4  }
0x98: {  	_ =	strace $0x8FFFFFFF  }
0x99: {  	s19 =	sld [smem:$0x3FDB];
	_ =	sdelay $0x1  }
0x9a: {  	s5 =	simm.s32 $_scs_section_size  }
0x9b: {  	s6 =	simm.s32 $_size__tile_overlayer_lowered;
	s7 =	simm.s32 $_tile_overlayer_lowered  }
0x9c: {  	s22 =	simm.s32 $0x1BFF;
	s21 =	sshll.u32 s7, $0x1;
	s4 =	sadd.s32 s5, s19  }
0x9d: {  	s8 =	simm.s32 $0x0;
	s20 =	sshll.u32 s6, $0x1;
	s6 =	sadd.s32 s21, s4  }
0x9e: {  	[timem:s8], [sflag:s22] =	dma.local [hbm:s6], s20  }
0x9f: {  	_ =	swait.ge [sflag:s22], s20  }
0xa0: {  	s5 =	ssub.s32 $0x0, s20;
	[sflag:s22] =	ssyncset.done $0x0  }
0xa1: {  	[sflag:s22] =	ssyncadd.s32 s5;
	_ =	sdelay $0x1  }
0xa2: {  	s23 =	simm.s32 $0x1B8B  }
0xa3: {  	_ =	swait.ge [sflag:s23], $0x1  }
0xa4: {  	[sflag:s23] =	ssyncset.done $0x0  }
0xa5: {  	s25 =	simm.s32 $0x1B8E;
	s24 =	sld [smem:$0x3FFE];
	[sflag:s23] =	ssyncadd.s32 $0xFFFFFFFF  }
0xa6: {  	s26 =	simm.s32 $execute0_lowered;
	[smem:$0x3FD2] =	sst s25  }
0xa7: {  	s6 =	sshll.u32 s26, $0x1;
	_ =	strace $0x80000046;
	[dreg:$0x1] =	wrdreg $0xFFFFFFFF  }
0xa8: {  	s28 =	simm.s32 $_size_execute0_lowered;
	s4 =	sadd.s32 s4, s6;
	[dreg:$0x0] =	wrdreg $0x0  }
0xa9: {  	s6 =	sshll.u32 s28, $0x1;
	[dreg:$0x2] =	wrdreg s4  }
0xaa: {  	[dreg:$0x3] =	wrdreg s6  }
0xab: {  	[dreg:$0x4] =	wrdreg $0xC0  }
0xac: {  	_ =	task [dreg:s8], $0x5FFFF  }
0xad: {  	[dreg:$0x1] =	wrdreg $0xFFFFFFFF  }
0xae: {  	[dreg:$0x0] =	wrdreg $0x60  }
0xaf: {  	[dreg:$0x2] =	wrdreg s2  }
0xb0: {  	[dreg:$0x3] =	wrdreg s18  }
0xb1: {  	[dreg:$0x4] =	wrdreg s24  }
0xb2: {  	[dreg:$0x5] =	wrdreg $0x9  }
0xb3: {  	_ =	task.clear_ibuf [dreg:s8], $0x6FFFF;
	_ =	strace $0x90000046  }
0xb4: {  	s29 =	simm.s32 $0x9;
	_ =	strace $0x80000048  }
0xb5: {  	_ =	swait.ge [sflag:s29], $0x1  }
0xb6: {  	[sflag:s29] =	ssyncadd.s32 $0xFFFFFFFF  }
0xb7: {  	_ =	strace $0x90000048  }
0xb8: {  	_ =	sfence  }
0xb9: {  	s30 =	sld [smem:$0x0];
	_ =	sdelay $0x2  }
0xba: {  	s31 =	sshll.u32 s1, $0xD;
	s1 =	sshrl.u32 s1, $0x2  }
0xbb: {  	s3 =	sand.u32 $0x4000, s31;
	s1 =	sadd.s32 s1, s30  }
0xbc: {  	s0 =	sor.u32 s3, s0;
	s1 =	sshll.u32 s1, $0x11  }
0xbd: {  	s0 =	sor.u32 s1, s0  }
0xbe: {  	s0 =	sadd.s32 $0x8F2B, s0  }
0xbf: {  	[sflag:s0] =	ssyncadd.remote.s32 $0x1  }
0xc0: {  	_ =	sfence.sel $0xFFFF  }
0xc1: {  	[dreg:$0x0] =	wrdreg $0xFFFFFFFF;
	(pc) =	sbr.abs _section_cstart, $3  }
0xc2: {  	[dreg:$0x1] =	wrdreg $0xFFFFFFFF  }
0xc3: {  	_ =	task.clear_ibuf [dreg:s8], $0x2FFFF;
	_ =	strace $0x9FFFFFFF  }
0xc4: {  	(tm) =	ssettm $0x7FFFFFFF  }
0xc5: {  	_ =	shalt  }
tec
execute0_lowered:
.L_overlay_start_1:
0x0: {  	(tag) =	ssettag $0x1  }
0x1: {  	s0 =	rddreg [dreg:$0x0]  }
0x2: {  	s1 =	rddreg [dreg:$0x1]  }
0x3: {  	s4 =	rddreg [dreg:$0x2]  }
0x4: {  	s2 =	simm.s32 $0x0;
	s3 =	srdreg.scid;
	s6 =	stileid.u32  }
0x5: {  	s14 =	simm.s32 $0x2;
	s15 =	simm.s32 $0x200;
	s16 =	simm.s32 $0x80  }
0x6: {  	s17 =	simm.s32 $0x280;
	s18 =	simm.s32 $0x100;
	s19 =	simm.s32 $0x300  }
0x7: {  	s20 =	simm.s32 $0x180;
	s21 =	simm.s32 $0x380;
	s22 =	simm.s32 $0x400  }
0x8: {  	s25 =	simm.s32 $0xA400;
	s28 =	simm.s32 $0xC400;
	s29 =	simm.s32 $0x6400  }
0x9: {  	s30 =	simm.s32 $0xE400;
	s31 =	simm.s32 $0x1;
	s5 =	sand.u32 $0x1, s3  }
0xa: {  	[smem:$0x7FF] =	sst s2;
	s6 =	sshll.u32 s6, $0xA;
	s7 =	sshll.u32 s5, $0x9  }
0xb: {  	s3 =	sadd.s32 $0xF42E00, s4;
	s5 =	ssub.s32 $0x2, s5;
	s6 =	sor.u32 s7, s6  }
0xc: {  	_ =	strace $0x80000047;
	s8 =	sshrl.u32 s5, $0x1;
	s7 =	sshll.u32 s6, $0x3  }
0xd: {  	s9 =	sshrl.u32 s6, $0x3;
	s13 =	ssub.s32 s5, s8;
	s12 =	sadd.s32 s7, s4  }
0xe: {  	s26 =	sor.u32 $0x10, s9;
	s4 =	sadd.s32 s0, s9;
	s5 =	sadd.s32 s1, s9  }
0xf: {  	s10 =	sor.u32 $0x20, s9;
	s11 =	sor.u32 $0x30, s9;
	s13 =	smax.u32 s13, $0x1  }
0x10: {  	s6 =	sadd.s32 s0, s26;
	s7 =	sadd.s32 s1, s26;
	s8 =	sadd.s32 s0, s10  }
0x11: {  	s9 =	sadd.s32 s1, s10;
	s10 =	sadd.s32 s0, s11;
	s11 =	sadd.s32 s1, s11  }
0x12: {  	s12 =	sadd.s32 $0xA00, s12;
	s26 =	simm.s32 $0x4400;
	s0 =	simm.s32 $0x0  }
.LBB2_1:
0x13: {  	[tilespmem:s2], [sflag:$0x2] =	stream.linear.gather [hbm4b:s4+s2], $0x80, $0x38;
	[tilespmem:$0x10400] =	vst v63  }
0x14: {  	_ =	swait.ge [sflag:s14], $0x80  }
0x15: {  	[sflag:s14] =	ssyncset.done $0x0  }
0x16: {  	[sflag:s14] =	ssyncadd.s32 $0xFFFFFF80  }
0x17: {  	[tilespmem:s15], [sflag:$0x2] =	stream.linear.gather [hbm4b:s5+s2], $0x80, $0x38;
	[tilespmem:$0x10400] =	vst v63  }
0x18: {  	_ =	swait.ge [sflag:s14], $0x80  }
0x19: {  	[sflag:s14] =	ssyncset.done $0x0  }
0x1a: {  	[sflag:s14] =	ssyncadd.s32 $0xFFFFFF80  }
0x1b: {  	[tilespmem:s16], [sflag:$0x2] =	stream.linear.gather [hbm4b:s6+s2], $0x80, $0x38;
	[tilespmem:$0x10400] =	vst v63  }
0x1c: {  	_ =	swait.ge [sflag:s14], $0x80  }
0x1d: {  	[sflag:s14] =	ssyncset.done $0x0  }
0x1e: {  	[sflag:s14] =	ssyncadd.s32 $0xFFFFFF80  }
0x1f: {  	[tilespmem:s17], [sflag:$0x2] =	stream.linear.gather [hbm4b:s7+s2], $0x80, $0x38;
	[tilespmem:$0x10400] =	vst v63  }
0x20: {  	_ =	swait.ge [sflag:s14], $0x80  }
0x21: {  	[sflag:s14] =	ssyncset.done $0x0  }
0x22: {  	[sflag:s14] =	ssyncadd.s32 $0xFFFFFF80  }
0x23: {  	[tilespmem:s18], [sflag:$0x2] =	stream.linear.gather [hbm4b:s8+s2], $0x80, $0x38;
	[tilespmem:$0x10400] =	vst v63  }
0x24: {  	_ =	swait.ge [sflag:s14], $0x80  }
0x25: {  	[sflag:s14] =	ssyncset.done $0x0  }
0x26: {  	[sflag:s14] =	ssyncadd.s32 $0xFFFFFF80  }
0x27: {  	[tilespmem:s19], [sflag:$0x2] =	stream.linear.gather [hbm4b:s9+s2], $0x80, $0x38;
	[tilespmem:$0x10400] =	vst v63  }
0x28: {  	_ =	swait.ge [sflag:s14], $0x80  }
0x29: {  	[sflag:s14] =	ssyncset.done $0x0  }
0x2a: {  	[sflag:s14] =	ssyncadd.s32 $0xFFFFFF80  }
0x2b: {  	[tilespmem:s20], [sflag:$0x2] =	stream.linear.gather [hbm4b:s10+s2], $0x80, $0x38;
	[tilespmem:$0x10400] =	vst v63  }
0x2c: {  	_ =	swait.ge [sflag:s14], $0x80  }
0x2d: {  	[sflag:s14] =	ssyncset.done $0x0  }
0x2e: {  	[sflag:s14] =	ssyncadd.s32 $0xFFFFFF80  }
0x2f: {  	[tilespmem:s21], [sflag:$0x2] =	stream.linear.gather [hbm4b:s11+s2], $0x80, $0x38;
	[tilespmem:$0x10400] =	vst v63  }
0x30: {  	_ =	swait.ge [sflag:s14], $0x80  }
0x31: {  	[sflag:s14] =	ssyncset.done $0x0  }
0x32: {  	[sflag:s14] =	ssyncadd.s32 $0xFFFFFF80  }
0x33: {  	[tilespmem:s22], [sflag:$0x1] =	stream.indirect.gather [hbm4b:s3+s16], $0x40, s2, s16, $0xb8;
	[tilespmem:$0x10400] =	vst v63  }
0x34: {  	s1 =	simm.s32 $0x8400  }
0x35: {  	[tilespmem:s1], [sflag:$0x1] =	stream.indirect.gather [hbm4b:s3+s16], $0x40, s15, s16, $0xb8;
	[tilespmem:$0x10400] =	vst v63  }
0x36: {  	s24 =	simm.s32 $0x2400  }
0x37: {  	[tilespmem:s24], [sflag:$0x1] =	stream.indirect.gather [hbm4b:s3+s16], $0x40, s16, s16, $0xb8;
	[tilespmem:$0x10400] =	vst v63  }
0x38: {  	_ = 	snop  }
0x39: {  	[tilespmem:s25], [sflag:$0x1] =	stream.indirect.gather [hbm4b:s3+s16], $0x40, s17, s16, $0xb8;
	[tilespmem:$0x10400] =	vst v63  }
0x3a: {  	_ = 	snop  }
0x3b: {  	[tilespmem:s26], [sflag:$0x1] =	stream.indirect.gather [hbm4b:s3+s16], $0x40, s18, s16, $0xb8;
	[tilespmem:$0x10400] =	vst v63  }
0x3c: {  	_ = 	snop  }
0x3d: {  	[tilespmem:s28], [sflag:$0x1] =	stream.indirect.gather [hbm4b:s3+s16], $0x40, s19, s16, $0xb8;
	[tilespmem:$0x10400] =	vst v63  }
0x3e: {  	_ = 	snop  }
0x3f: {  	[tilespmem:s29], [sflag:$0x1] =	stream.indirect.gather [hbm4b:s3+s16], $0x40, s20, s16, $0xb8;
	[tilespmem:$0x10400] =	vst v63  }
0x40: {  	_ = 	snop  }
0x41: {  	[tilespmem:s30], [sflag:$0x1] =	stream.indirect.gather [hbm4b:s3+s16], $0x40, s21, s16, $0xb8;
	[tilespmem:$0x10400] =	vst v63  }
0x42: {  	_ =	swait.ge [sflag:s31], $0x2000  }
0x43: {  	[sflag:s31] =	ssyncset.done $0x0  }
0x44: {  	[sflag:s31] =	ssyncadd.s32 $0xFFFFE000  }
0x45: {  	_ =	swait.ge [sflag:s31], $0x2000  }
0x46: {  	[sflag:s31] =	ssyncset.done $0x0  }
0x47: {  	[sflag:s31] =	ssyncadd.s32 $0xFFFFE000  }
0x48: {  	_ =	swait.ge [sflag:s31], $0x2000  }
0x49: {  	[sflag:s31] =	ssyncset.done $0x0  }
0x4a: {  	[sflag:s31] =	ssyncadd.s32 $0xFFFFE000  }
0x4b: {  	_ =	swait.ge [sflag:s31], $0x2000  }
0x4c: {  	[sflag:s31] =	ssyncset.done $0x0  }
0x4d: {  	[sflag:s31] =	ssyncadd.s32 $0xFFFFE000  }
0x4e: {  	_ =	swait.ge [sflag:s31], $0x2000  }
0x4f: {  	[sflag:s31] =	ssyncset.done $0x0  }
0x50: {  	[sflag:s31] =	ssyncadd.s32 $0xFFFFE000  }
0x51: {  	_ =	swait.ge [sflag:s31], $0x2000  }
0x52: {  	[sflag:s31] =	ssyncset.done $0x0  }
0x53: {  	[sflag:s31] =	ssyncadd.s32 $0xFFFFE000  }
0x54: {  	_ =	swait.ge [sflag:s31], $0x2000  }
0x55: {  	[sflag:s31] =	ssyncset.done $0x0  }
0x56: {  	[sflag:s31] =	ssyncadd.s32 $0xFFFFE000  }
0x57: {  	_ =	swait.ge [sflag:s31], $0x2000  }
0x58: {  	[sflag:s31] =	ssyncset.done $0x0  }
0x59: {  	s1 =	simm.s32 $0x0;
	[sflag:s31] =	ssyncadd.s32 $0xFFFFE000  }
0x5a: {  	v5 =	vld [tilespmem:s1+$0x8400]  }
0x5b: {  	v6 =	vld [tilespmem:s1+$0x8410]  }
0x5c: {  	v1 =	vld [tilespmem:s1+$0x8420]  }
0x5d: {  	v0 =	vld [tilespmem:s1+$0x8430]  }
0x5e: {  	v2 =	vld [tilespmem:s1+$0x400]  }
0x5f: {  	v4 =	vld [tilespmem:s1+$0x410]  }
0x60: {  	s23 =	simm.s32 $0x100;
	v3 =	vld [tilespmem:s1+$0x420]  }
.LBB2_2:
0x61: {  	s24 =	sshra.s32 s23, $0x2;
	p0 =	sne.s32 s23, $0x1FF00;
	v7 =	vld [tilespmem:s1+$0x430];
	v8 =	vmov v1  }
0x62: {  	v9 =	vld [tilespmem:s24+$0x8400];
	v10 =	vmov v0  }
0x63: {  	v11 =	vld [tilespmem:s24+$0x8410];
	v2 =	vmul.f32 v5, v2  }
.Ltmp0:
0x64: {  	v1 =	vld [tilespmem:s24+$0x8420];
	v4 =	vmul.f32 v6, v4;
	(pc) =	sbr.rel @p0 .LBB2_2-.Ltmp0, $4  }
0x65: {  	v0 =	vld [tilespmem:s24+$0x8430];
	[tilespmem:s1+$0x400] =	vst v2;
	v3 =	vmul.f32 v8, v3  }
0x66: {  	v2 =	vld [tilespmem:s24+$0x400];
	[tilespmem:s1+$0x410] =	vst v4;
	v7 =	vmul.f32 v10, v7  }
0x67: {  	v4 =	vld [tilespmem:s24+$0x410];
	[tilespmem:s1+$0x420] =	vst v3;
	v5 =	vmov v9  }
0x68: {  	s23 =	sadd.s32 $0x100, s23;
	v3 =	vld [tilespmem:s24+$0x420];
	[tilespmem:s1+$0x430] =	vst v7;
	v6 =	vmov v11;
	s1 =	smov.u32 s24  }
0x69: {  	v7 =	vld [tilespmem:s1+$0x430];
	_ =	sdelay $0x1  }
0x6a: {  	v2 =	vmul.f32 v5, v2  }
0x6b: {  	v4 =	vmul.f32 v6, v4  }
0x6c: {  	[tilespmem:s1+$0x400] =	vst v2;
	v1 =	vmul.f32 v1, v3  }
0x6d: {  	s0 =	sadd.s32 $0x1, s0;
	[tilespmem:s1+$0x410] =	vst v4;
	v0 =	vmul.f32 v0, v7  }
0x6e: {  	p0 =	sne.s32 s0, s13;
	[tilespmem:s1+$0x420] =	vst v1  }
.Ltmp1:
0x6f: {  	[tilespmem:s1+$0x430] =	vst v0;
	(pc) =	sbr.rel @p0 .LBB2_1-.Ltmp1, $4  }
0x70: {  	[hbm4b:s12+s2] =	stream.linear.scatter [tilespmem:s22], [sflag:$0x2], $0x8000, $0x38;
	[tilespmem:$0x10400] =	vst v63  }
0x71: {  	_ =	swait.ge [sflag:s14], $0x8000  }
0x72: {  	[sflag:s14] =	ssyncset.done $0x0  }
0x73: {  	[sflag:s14] =	ssyncadd.s32 $0xFFFF8000  }
0x74: {  	_ =	sfence.sel $0x180000  }
0x75: {  	[bflag:$0x0] =	sbarrier.arrive $0xFFFF  }
0x76: {  	_ =	strace $0x90000047  }
0x77: {  	s0 =	stileid.u32;
	[bflag:$0x2] =	sbarrier.arrive $0xFFFF  }
0x78: {  	p0 =	sne.s32 s0, $0x0;
	s0 =	rddreg [dreg:$0x3]  }
0x79: {  	s0 =	sadd.s32 @!p0 $0x100000, s0  }
0x7a: {  	[sflag:s0] =	ssyncadd.tile.s32 @!p0 $0x1;
	_ =	shalt  }
.Lfunc_end2:
_tile_overlayer_lowered:
.L_overlay_start_2:
0x7b: {  	(tag) =	ssettag $0x2  }
0x7c: {  	s0 =	rddreg [dreg:$0x0];
	s2 =	stileid.u32  }
0x7d: {  	s1 =	rddreg [dreg:$0x1];
	p0 =	sne.s32 s2, $0x0  }
0x7e: {  	s3 =	rddreg [dreg:$0x2];
	[bflag:$0x3] =	sbarrier.arrive $0xFFFF;
	s2 =	simm.s32 @!p0 $0x1C02  }
0x7f: {  	[timem:s3], [sflag:s2] =	dma.local @!p0 [hbm:s0], s1  }
0x80: {  	s0 =	simm.s32 @!p0 $0x2  }
0x81: {  	_ =	swait.ge @!p0 [sflag:s0], s1  }
0x82: {  	s1 =	ssub.s32 @!p0 $0x0, s1;
	[sflag:s0] =	ssyncset.done @!p0 $0x0  }
0x83: {  	[sflag:s0] =	ssyncadd.s32 @!p0 s1  }
0x84: {  	[bflag:$0x3] =	sbarrier.arrive $0xFFFF  }
0x85: {  	_ =	shalt  }

</sc_bundles>
